<compile_context>
chip_gen: v7x
topology: tpu7x:2x2x1
jax: 0.10.2.dev20260603
libtpu: 0.0.44.dev20260713+nightly
codegen_flags: <defaults>
</compile_context>

<pallas_src>
import functools

import jax
import jax.numpy as jnp
from jax import lax
from jax.experimental import pallas as pl
from jax.experimental.pallas import tpu as pltpu
from jax.experimental.pallas import tpu_sc as plsc

N = 10000
E = 320000
DIM = 128
NCLASS = 7
MAX_DEGREE = 64
SAM = 1024

NC = 2
NS = 16
NW = NC * NS
EPT = E // NW
CB = 100
KC = EPT // CB
RPT = N // NS

BR = 1000
GRID = N // BR



def _sc_body(do_hist, h_hbm, sd_hbm, idx_hbm, zeros_hbm, ones_hbm, e1_hbm,
             *rest):
    if do_hist:
        (out_hbm, cnt_hbm, acc_sh, i0b, i1b, buf0, buf1,
         ones_v, e1_v, idx_v, g0, g1, i0s, i1s) = rest
    else:
        out_hbm, acc_sh, i0b, i1b, buf0, buf1, g0, g1, i0s, i1s = rest
    c = lax.axis_index("c")
    s = lax.axis_index("s")
    wid = c * NS + s

    pltpu.sync_copy(zeros_hbm, acc_sh.at[pl.ds(s * RPT, RPT)])
    if do_hist:
        pltpu.sync_copy(ones_hbm, ones_v)
        pltpu.sync_copy(e1_hbm, e1_v)
        pltpu.sync_copy(idx_hbm.at[s], idx_v)
    plsc.subcore_barrier()

    pltpu.sync_copy(sd_hbm.at[wid, 0], i0b)
    pltpu.sync_copy(sd_hbm.at[wid, 1], i1b)
    pltpu.async_copy(h_hbm.at[i0b.at[0]], buf0, g0)
    last = KC // 2 - 1

    def step(i, _):
        j0 = 2 * i

        @pl.when(i > 0)
        def _():
            pltpu.make_async_copy(sd_hbm.at[wid, 0], i1b, i1s).wait()

        pltpu.async_copy(h_hbm.at[i1b.at[0]], buf1, g1)
        pltpu.make_async_copy(h_hbm.at[i0b.at[0]], buf0, g0).wait()
        pltpu.sync_copy(buf0, acc_sh.at[i0b.at[1]], add=True)

        @pl.when(i < last)
        def _():
            pltpu.async_copy(sd_hbm.at[wid, j0 + 2], i0b, i0s)

        pltpu.make_async_copy(h_hbm.at[i1b.at[0]], buf1, g1).wait()
        pltpu.sync_copy(buf1, acc_sh.at[i1b.at[1]], add=True)

        @pl.when(i < last)
        def _():
            pltpu.async_copy(sd_hbm.at[wid, j0 + 3], i1b, i1s)
            pltpu.make_async_copy(sd_hbm.at[wid, 0], i0b, i0s).wait()
            pltpu.async_copy(h_hbm.at[i0b.at[0]], buf0, g0)

        return 0

    lax.fori_loop(0, KC // 2, step, 0)
    plsc.subcore_barrier()
    pltpu.sync_copy(acc_sh.at[pl.ds(s * RPT, RPT)], out_hbm.at[c, s])
    plsc.subcore_barrier()

    if do_hist:
        pltpu.sync_copy(zeros_hbm, acc_sh.at[pl.ds(s * RPT, RPT)])
        plsc.subcore_barrier()

        pltpu.sync_copy(sd_hbm.at[wid, 0], i0b)
        pltpu.sync_copy(sd_hbm.at[wid, 1], i1b)

        def step2(i, _):
            j0 = 2 * i

            @pl.when(i > 0)
            def _():
                pltpu.make_async_copy(sd_hbm.at[wid, 0], i1b, i1s).wait()

            pltpu.sync_copy(ones_v, acc_sh.at[i0b.at[1]], add=True)

            @pl.when(i < last)
            def _():
                pltpu.async_copy(sd_hbm.at[wid, j0 + 2], i0b, i0s)

            pltpu.sync_copy(ones_v, acc_sh.at[i1b.at[1]], add=True)

            @pl.when(i < last)
            def _():
                pltpu.async_copy(sd_hbm.at[wid, j0 + 3], i1b, i1s)
                pltpu.make_async_copy(sd_hbm.at[wid, 0], i0b, i0s).wait()

            return 0

        lax.fori_loop(0, KC // 2, step2, 0)

        @pl.when(c == 0)
        def _():
            for k in range(4):
                pltpu.sync_copy(e1_v, acc_sh.at[idx_v.at[k]], add=True)

        plsc.subcore_barrier()
        pltpu.sync_copy(acc_sh.at[pl.ds(s * RPT, RPT)], cnt_hbm.at[c, s])


def _make_sc_kernel(do_hist):
    mesh = plsc.VectorSubcoreMesh(core_axis_name="c", subcore_axis_name="s",
                                  num_cores=NC, num_subcores=NS)
    out_type = [
        jax.ShapeDtypeStruct((NC, NS, RPT, DIM), jnp.float32),
    ]
    scratch = [
        pltpu.VMEM_SHARED((N, DIM), jnp.float32),
        pltpu.VMEM((2, CB), jnp.int32),
        pltpu.VMEM((2, CB), jnp.int32),
        pltpu.VMEM((CB, DIM), jnp.float32),
        pltpu.VMEM((CB, DIM), jnp.float32),
    ]
    if do_hist:
        out_type.append(
            jax.ShapeDtypeStruct((NC, NS, RPT, DIM), jnp.float32))
        scratch += [
            pltpu.VMEM((CB, DIM), jnp.float32),
            pltpu.VMEM((16, DIM), jnp.float32),
            pltpu.VMEM((4, 16), jnp.int32),
        ]
    scratch += [pltpu.SemaphoreType.DMA] * 4
    return pl.kernel(functools.partial(_sc_body, do_hist), out_type=out_type,
                     mesh=mesh, scratch_types=scratch)



def _mm_body(x_ref, w_ref, o_ref):
    o_ref[...] = jnp.dot(x_ref[...], w_ref[...],
                         preferred_element_type=jnp.float32)


def _input_matmul(x, W):
    return pl.pallas_call(
        _mm_body,
        grid=(GRID,),
        in_specs=[pl.BlockSpec((BR, DIM), lambda i: (i, 0)),
                  pl.BlockSpec((DIM, DIM), lambda i: (0, 0))],
        out_specs=pl.BlockSpec((BR, DIM), lambda i: (i, 0)),
        out_shape=jax.ShapeDtypeStruct((N, DIM), jnp.float32),
    )(x, W)


def _film_body(p_ref, cnt_ref, hpre_ref, d_ref, g_ref, b_ref,
               w2_ref, bias_ref, h_ref, hnext_ref, lb_ref, lf_ref,
               u_acc, q_acc):
    i = pl.program_id(0)

    @pl.when(i == 0)
    def _():
        u_acc[...] = jnp.zeros_like(u_acc)
        q_acc[...] = jnp.zeros_like(q_acc)

    cnt = cnt_ref[0, :, 0:1] + cnt_ref[1, :, 0:1]
    sw = cnt_ref[0, :, 1:2]
    agg = (p_ref[0] + p_ref[1]) / jnp.maximum(cnt, 1.0)
    iota = lax.broadcasted_iota(jnp.int32, (BR, MAX_DEGREE), 1)
    onehot = (d_ref[...] == iota.astype(jnp.float32)).astype(jnp.float32)
    gamma = jnp.dot(onehot, g_ref[...], preferred_element_type=jnp.float32)
    beta = jnp.dot(onehot, b_ref[...], preferred_element_type=jnp.float32)
    out = gamma * agg + beta + hpre_ref[...]

    u_acc[...] += jnp.sum(sw * out, axis=0, keepdims=True)
    q_acc[...] += jnp.sum(sw * out * out, axis=0, keepdims=True)

    h = jnp.where(out > 0, out, 0.01 * out)
    h_ref[...] = h
    hnext_ref[...] = (jnp.dot(h, w2_ref[...],
                              preferred_element_type=jnp.float32)
                      + bias_ref[...])

    @pl.when(i == GRID - 1)
    def _():
        u = u_acc[...]
        q = q_acc[...]
        lb = (jnp.sum(q) - jnp.sum(u * u) / SAM) / (SAM * DIM)
        lf = ((jnp.sum(g_ref[...] * g_ref[...])
               + jnp.sum(b_ref[...] * b_ref[...]))
              / (MAX_DEGREE * DIM))
        lb_ref[...] = lb.reshape(1, 1)
        lf_ref[...] = lf.reshape(1, 1)


def _film_layer(parts, cnts, h_pre, d_f, gemb, bemb, W_next, bias_next):
    return pl.pallas_call(
        _film_body,
        grid=(GRID,),
        in_specs=[
            pl.BlockSpec((NC, BR, DIM), lambda i: (0, i, 0)),
            pl.BlockSpec((NC, BR, DIM), lambda i: (0, i, 0)),
            pl.BlockSpec((BR, DIM), lambda i: (i, 0)),
            pl.BlockSpec((BR, 1), lambda i: (i, 0)),
            pl.BlockSpec((MAX_DEGREE, DIM), lambda i: (0, 0)),
            pl.BlockSpec((MAX_DEGREE, DIM), lambda i: (0, 0)),
            pl.BlockSpec((DIM, DIM), lambda i: (0, 0)),
            pl.BlockSpec((1, DIM), lambda i: (0, 0)),
        ],
        out_specs=[
            pl.BlockSpec((BR, DIM), lambda i: (i, 0)),
            pl.BlockSpec((BR, DIM), lambda i: (i, 0)),
            pl.BlockSpec((1, 1), lambda i: (0, 0)),
            pl.BlockSpec((1, 1), lambda i: (0, 0)),
        ],
        out_shape=[
            jax.ShapeDtypeStruct((N, DIM), jnp.float32),
            jax.ShapeDtypeStruct((N, DIM), jnp.float32),
            jax.ShapeDtypeStruct((1, 1), jnp.float32),
            jax.ShapeDtypeStruct((1, 1), jnp.float32),
        ],
        scratch_shapes=[
            pltpu.VMEM((1, DIM), jnp.float32),
            pltpu.VMEM((1, DIM), jnp.float32),
        ],
    )(parts, cnts, h_pre, d_f, gemb, bemb, W_next, bias_next)



def kernel(x, edge_index, d, idx, W1, gamma1, beta1, W2, gamma2, beta2,
           fc_W, fc_b):
    src3 = edge_index[0].reshape(NW, KC, CB)
    dst3 = edge_index[1].reshape(NW, KC, CB)
    sd3 = jnp.stack((src3, dst3), axis=2)
    idx2 = idx.reshape(NS, 4, 16)
    d_f = d.astype(jnp.float32).reshape(N, 1)
    zeros = jnp.zeros((RPT, DIM), jnp.float32)
    ones0 = jnp.zeros((CB, DIM), jnp.float32).at[:, 0].set(1.0)
    e1 = jnp.zeros((16, DIM), jnp.float32).at[:, 1].set(1.0)
    fcWp = jnp.zeros((DIM, DIM), jnp.float32).at[:, :NCLASS].set(fc_W)
    fcbp = jnp.zeros((1, DIM), jnp.float32).at[0, :NCLASS].set(fc_b)
    zbias = jnp.zeros((1, DIM), jnp.float32)

    sc1 = _make_sc_kernel(True)
    sc2 = _make_sc_kernel(False)

    h1_pre = _input_matmul(x, W1)
    parts1, cnts = sc1(h1_pre, sd3, idx2, zeros, ones0, e1)
    parts1 = parts1.reshape(NC, N, DIM)
    cnts = cnts.reshape(NC, N, DIM)
    h1, h2_pre, b1, f1 = _film_layer(parts1, cnts, h1_pre, d_f,
                                     gamma1, beta1, W2, zbias)
    parts2 = sc2(h2_pre, sd3, idx2, zeros, ones0, e1)
    if isinstance(parts2, (list, tuple)):
        parts2 = parts2[0]
    parts2 = parts2.reshape(NC, N, DIM)
    _, logits_pad, b2, f2 = _film_layer(parts2, cnts, h2_pre, d_f,
                                        gamma2, beta2, fcWp, fcbp)

    logits = logits_pad[:, :NCLASS]
    return (logits, (b1 + b2)[0, 0], (f1 + f2)[0, 0], h1)

# --- scband reference (transcript-rebuilt; emitter-appended) ---
"""Pipeline reference for scband-dfair-gnn-2-21835613733506 (READ-ONLY COPY).

The authoritative reference and input builder live on the scoring server;
editing this copy changes nothing except your own understanding.
"""

import jax, jax.numpy as jnp
import numpy as np

N = 10000
E = 320000
NFEAT = 128
DIM = 128
NCLASS = 7
MAX_DEGREE = 64
SAM = 1024


def setup_inputs(seed: int = 0) -> dict:
    key = jax.random.key(seed)
    ks = [jax.random.fold_in(key, i) for i in range(12)]
    x = jax.random.normal(ks[0], (N, NFEAT), dtype=jnp.float32)
    edge_index = jax.random.randint(ks[1], (2, E), 0, N)
    d = jax.random.randint(ks[2], (N,), 0, MAX_DEGREE)
    idx = jax.random.randint(ks[3], (SAM,), 0, N)
    W1 = jax.random.normal(ks[4], (NFEAT, DIM), dtype=jnp.float32) * 0.05
    gamma1 = jax.random.normal(ks[5], (MAX_DEGREE, DIM), dtype=jnp.float32) * 0.05
    beta1 = jax.random.normal(ks[6], (MAX_DEGREE, DIM), dtype=jnp.float32) * 0.05
    W2 = jax.random.normal(ks[7], (DIM, DIM), dtype=jnp.float32) * 0.05
    gamma2 = jax.random.normal(ks[8], (MAX_DEGREE, DIM), dtype=jnp.float32) * 0.05
    beta2 = jax.random.normal(ks[9], (MAX_DEGREE, DIM), dtype=jnp.float32) * 0.05
    fc_W = jax.random.normal(ks[10], (DIM, NCLASS), dtype=jnp.float32) * 0.05
    fc_b = jnp.zeros((NCLASS,), dtype=jnp.float32)
    return {"x": x, "edge_index": edge_index, "d": d, "idx": idx,
            "W1": W1, "gamma1": gamma1, "beta1": beta1,
            "W2": W2, "gamma2": gamma2, "beta2": beta2,
            "fc_W": fc_W, "fc_b": fc_b}


def reference(x, edge_index, d, idx, W1, gamma1, beta1, W2, gamma2, beta2, fc_W, fc_b):
    src = edge_index[0]
    dst = edge_index[1]

    def debias(h_in, W, gemb, bemb):
        # degree-aware FiLM-debiased message passing layer (Debias_v3)
        h = h_in @ W
        msgs = jnp.take(h, src, axis=0)
        agg = jax.ops.segment_sum(msgs, dst, num_segments=N)
        cnt = jax.ops.segment_sum(jnp.ones((E,), dtype=h.dtype), dst, num_segments=N)
        agg = agg / jnp.clip(cnt, 1.0)[:, None]
        gamma = jnp.take(gemb, d, axis=0)
        beta = jnp.take(bemb, d, axis=0)
        out = gamma * agg + beta + h
        sel = jnp.take(out, idx, axis=0)
        L_b = jnp.mean((sel - jnp.mean(sel, axis=0, keepdims=True)) ** 2)
        L_film = jnp.mean(gamma ** 2) + jnp.mean(beta ** 2)
        return out, L_b, L_film

    h1, b1, f1 = debias(x, W1, gamma1, beta1)
    h1 = jax.nn.leaky_relu(h1, negative_slope=0.01)
    contrastive_target = h1
    # dropout is identity in eval mode
    h2, b2, f2 = debias(h1, W2, gamma2, beta2)
    h2 = jax.nn.leaky_relu(h2, negative_slope=0.01)
    logits = h2 @ fc_W + fc_b
    return (logits, b1 + b2, f1 + f2, contrastive_target)

if __name__ == "__main__":
    import jax
    _d = setup_inputs()
    print(jax.jit(kernel)(*tuple(_d.values())))

</pallas_src>

<mosaic_0001>
#map = affine_map<(d0, d1) -> (0, 0)>
#map1 = affine_map<(d0, d1) -> (0, 0, 0, 0)>
#map2 = affine_map<(d0, d1) -> (0, 0, 0)>
module attributes {stable_mosaic.version = 14 : i64} {
  func.func @_sc_body(%arg0: i32, %arg1: i32, %arg2: memref<10000x128xf32, #tpu.memory_space<hbm>>, %arg3: memref<32x100x2x100xi32, #tpu.memory_space<hbm>>, %arg4: memref<16x4x16xi32, #tpu.memory_space<hbm>>, %arg5: memref<625x128xf32, #tpu.memory_space<hbm>>, %arg6: memref<100x128xf32, #tpu.memory_space<hbm>>, %arg7: memref<16x128xf32, #tpu.memory_space<hbm>>, %arg8: memref<2x16x625x128xf32, #tpu.memory_space<hbm>>, %arg9: memref<2x16x625x128xf32, #tpu.memory_space<hbm>>, %arg10: memref<10000x128xf32, #tpu.memory_space<vmem_shared>>, %arg11: memref<2x100xi32, #tpu.memory_space<vmem>>, %arg12: memref<2x100xi32, #tpu.memory_space<vmem>>, %arg13: memref<100x128xf32, #tpu.memory_space<vmem>>, %arg14: memref<100x128xf32, #tpu.memory_space<vmem>>, %arg15: memref<100x128xf32, #tpu.memory_space<vmem>>, %arg16: memref<16x128xf32, #tpu.memory_space<vmem>>, %arg17: memref<4x16xi32, #tpu.memory_space<vmem>>, %arg18: memref<!tpu.dma_semaphore, #tpu.memory_space<semaphore_mem>>, %arg19: memref<!tpu.dma_semaphore, #tpu.memory_space<semaphore_mem>>, %arg20: memref<!tpu.dma_semaphore, #tpu.memory_space<semaphore_mem>>, %arg21: memref<!tpu.dma_semaphore, #tpu.memory_space<semaphore_mem>>) attributes {dimension_semantics = [#tpu.dimension_semantics<core_parallel>, #tpu.dimension_semantics<subcore_parallel>], iteration_bounds = array<i64: 2, 16>, scalar_prefetch = 0 : i64, scratch_operands = 12 : i64, tpu.core_type = #tpu.core_type<sc_vector_subcore>, window_params = [{transform_indices = #map}, {transform_indices = #map1}, {transform_indices = #map2}, {transform_indices = #map}, {transform_indices = #map}, {transform_indices = #map}, {transform_indices = #map1}, {transform_indices = #map1}]} {
    %mul3A = arith.constant 16 : i32
    %mul3A_0 = arith.muli %arg0, %mul3A : i32
    %add3A = arith.addi %mul3A_0, %arg1 : i32
    %mul3A_1 = arith.constant 625 : i32
    %mul3A_2 = arith.muli %arg1, %mul3A_1 : i32
    "tpu.region"() ({
      %run_scoped3A_37 = tpu.sem_alloc : memref<!tpu.dma_semaphore, #tpu.memory_space<semaphore_mem>>
      %dma_start3A_38 = arith.constant 0 : i32
      %dma_start3A_39 = tpu.memref_slice %arg10[%mul3A_2, %dma_start3A_38] : memref<10000x128xf32, #tpu.memory_space<vmem_shared>> -> memref<625x128xf32, #tpu.memory_space<vmem_shared>>
      tpu.enqueue_dma source(%arg5 : memref<625x128xf32, #tpu.memory_space<hbm>>) target(%dma_start3A_39 : memref<625x128xf32, #tpu.memory_space<vmem_shared>>) target_semaphore(%run_scoped3A_37 : memref<!tpu.dma_semaphore, #tpu.memory_space<semaphore_mem>>)
      %dma_wait3A = arith.constant 0 : i32
      %dma_wait3A_40 = tpu.memref_slice %arg10[%mul3A_2, %dma_wait3A] : memref<10000x128xf32, #tpu.memory_space<vmem_shared>> -> memref<625x128xf32, #tpu.memory_space<vmem_shared>>
      tpu.wait_dma2 semaphore(%run_scoped3A_37 : memref<!tpu.dma_semaphore, #tpu.memory_space<semaphore_mem>>) src(%arg5 : memref<625x128xf32, #tpu.memory_space<hbm>>) dst(%dma_wait3A_40 : memref<625x128xf32, #tpu.memory_space<vmem_shared>>)
      tpu.yield
    }) : () -> ()
    "tpu.region"() ({
      %run_scoped3A_37 = tpu.sem_alloc : memref<!tpu.dma_semaphore, #tpu.memory_space<semaphore_mem>>
      tpu.enqueue_dma source(%arg6 : memref<100x128xf32, #tpu.memory_space<hbm>>) target(%arg15 : memref<100x128xf32, #tpu.memory_space<vmem>>) target_semaphore(%run_scoped3A_37 : memref<!tpu.dma_semaphore, #tpu.memory_space<semaphore_mem>>)
      tpu.wait_dma2 semaphore(%run_scoped3A_37 : memref<!tpu.dma_semaphore, #tpu.memory_space<semaphore_mem>>) src(%arg6 : memref<100x128xf32, #tpu.memory_space<hbm>>) dst(%arg15 : memref<100x128xf32, #tpu.memory_space<vmem>>)
      tpu.yield
    }) : () -> ()
    "tpu.region"() ({
      %run_scoped3A_37 = tpu.sem_alloc : memref<!tpu.dma_semaphore, #tpu.memory_space<semaphore_mem>>
      tpu.enqueue_dma source(%arg7 : memref<16x128xf32, #tpu.memory_space<hbm>>) target(%arg16 : memref<16x128xf32, #tpu.memory_space<vmem>>) target_semaphore(%run_scoped3A_37 : memref<!tpu.dma_semaphore, #tpu.memory_space<semaphore_mem>>)
      tpu.wait_dma2 semaphore(%run_scoped3A_37 : memref<!tpu.dma_semaphore, #tpu.memory_space<semaphore_mem>>) src(%arg7 : memref<16x128xf32, #tpu.memory_space<hbm>>) dst(%arg16 : memref<16x128xf32, #tpu.memory_space<vmem>>)
      tpu.yield
    }) : () -> ()
    "tpu.region"() ({
      %run_scoped3A_37 = tpu.sem_alloc : memref<!tpu.dma_semaphore, #tpu.memory_space<semaphore_mem>>
      %dma_start3A_38 = arith.constant 0 : i32
      %dma_start3A_39 = arith.constant 0 : i32
      %dma_start3A_40 = tpu.memref_slice %arg4[%arg1, %dma_start3A_38, %dma_start3A_39] : memref<16x4x16xi32, #tpu.memory_space<hbm>> -> memref<1x4x16xi32, #tpu.memory_space<hbm>>
      %dma_start3A_41 = tpu.memref_squeeze %dma_start3A_40 : memref<1x4x16xi32, #tpu.memory_space<hbm>> -> memref<4x16xi32, #tpu.memory_space<hbm>>
      %dma_start3A_42 = arith.constant 0 : i32
      %dma_start3A_43 = arith.constant 0 : i32
      %dma_start3A_44 = tpu.memref_slice %arg4[%arg1, %dma_start3A_42, %dma_start3A_43] : memref<16x4x16xi32, #tpu.memory_space<hbm>> -> memref<1x4x16xi32, #tpu.memory_space<hbm>>
      %dma_start3A_45 = tpu.memref_squeeze %dma_start3A_44 : memref<1x4x16xi32, #tpu.memory_space<hbm>> -> memref<4x16xi32, #tpu.memory_space<hbm>>
      tpu.enqueue_dma source(%dma_start3A_45 : memref<4x16xi32, #tpu.memory_space<hbm>>) target(%arg17 : memref<4x16xi32, #tpu.memory_space<vmem>>) target_semaphore(%run_scoped3A_37 : memref<!tpu.dma_semaphore, #tpu.memory_space<semaphore_mem>>)
      %dma_wait3A = arith.constant 0 : i32
      %dma_wait3A_46 = arith.constant 0 : i32
      %dma_wait3A_47 = tpu.memref_slice %arg4[%arg1, %dma_wait3A, %dma_wait3A_46] : memref<16x4x16xi32, #tpu.memory_space<hbm>> -> memref<1x4x16xi32, #tpu.memory_space<hbm>>
      %dma_wait3A_48 = tpu.memref_squeeze %dma_wait3A_47 : memref<1x4x16xi32, #tpu.memory_space<hbm>> -> memref<4x16xi32, #tpu.memory_space<hbm>>
      %dma_wait3A_49 = arith.constant 0 : i32
      %dma_wait3A_50 = arith.constant 0 : i32
      %dma_wait3A_51 = tpu.memref_slice %arg4[%arg1, %dma_wait3A_49, %dma_wait3A_50] : memref<16x4x16xi32, #tpu.memory_space<hbm>> -> memref<1x4x16xi32, #tpu.memory_space<hbm>>
      %dma_wait3A_52 = tpu.memref_squeeze %dma_wait3A_51 : memref<1x4x16xi32, #tpu.memory_space<hbm>> -> memref<4x16xi32, #tpu.memory_space<hbm>>
      tpu.wait_dma2 semaphore(%run_scoped3A_37 : memref<!tpu.dma_semaphore, #tpu.memory_space<semaphore_mem>>) src(%dma_wait3A_52 : memref<4x16xi32, #tpu.memory_space<hbm>>) dst(%arg17 : memref<4x16xi32, #tpu.memory_space<vmem>>)
      tpu.yield
    }) : () -> ()
    %barrier3A = arith.constant 0 : index
    tpu.barrier barrier_id(%barrier3A)
    %run_scoped3A = arith.constant 0 : i32
    "tpu.region"() ({
      %run_scoped3A_37 = tpu.sem_alloc : memref<!tpu.dma_semaphore, #tpu.memory_space<semaphore_mem>>
      %dma_start3A_38 = arith.constant 0 : i32
      %dma_start3A_39 = arith.constant 0 : i32
      %dma_start3A_40 = tpu.memref_slice %arg3[%add3A, %run_scoped3A, %dma_start3A_38, %dma_start3A_39] : memref<32x100x2x100xi32, #tpu.memory_space<hbm>> -> memref<1x1x2x100xi32, #tpu.memory_space<hbm>>
      %dma_start3A_41 = tpu.memref_squeeze %dma_start3A_40 : memref<1x1x2x100xi32, #tpu.memory_space<hbm>> -> memref<2x100xi32, #tpu.memory_space<hbm>>
      %dma_start3A_42 = arith.constant 0 : i32
      %dma_start3A_43 = arith.constant 0 : i32
      %dma_start3A_44 = tpu.memref_slice %arg3[%add3A, %run_scoped3A, %dma_start3A_42, %dma_start3A_43] : memref<32x100x2x100xi32, #tpu.memory_space<hbm>> -> memref<1x1x2x100xi32, #tpu.memory_space<hbm>>
      %dma_start3A_45 = tpu.memref_squeeze %dma_start3A_44 : memref<1x1x2x100xi32, #tpu.memory_space<hbm>> -> memref<2x100xi32, #tpu.memory_space<hbm>>
      tpu.enqueue_dma source(%dma_start3A_45 : memref<2x100xi32, #tpu.memory_space<hbm>>) target(%arg11 : memref<2x100xi32, #tpu.memory_space<vmem>>) target_semaphore(%run_scoped3A_37 : memref<!tpu.dma_semaphore, #tpu.memory_space<semaphore_mem>>)
      %dma_wait3A = arith.constant 0 : i32
      %dma_wait3A_46 = arith.constant 0 : i32
      %dma_wait3A_47 = tpu.memref_slice %arg3[%add3A, %run_scoped3A, %dma_wait3A, %dma_wait3A_46] : memref<32x100x2x100xi32, #tpu.memory_space<hbm>> -> memref<1x1x2x100xi32, #tpu.memory_space<hbm>>
      %dma_wait3A_48 = tpu.memref_squeeze %dma_wait3A_47 : memref<1x1x2x100xi32, #tpu.memory_space<hbm>> -> memref<2x100xi32, #tpu.memory_space<hbm>>
      %dma_wait3A_49 = arith.constant 0 : i32
      %dma_wait3A_50 = arith.constant 0 : i32
      %dma_wait3A_51 = tpu.memref_slice %arg3[%add3A, %run_scoped3A, %dma_wait3A_49, %dma_wait3A_50] : memref<32x100x2x100xi32, #tpu.memory_space<hbm>> -> memref<1x1x2x100xi32, #tpu.memory_space<hbm>>
      %dma_wait3A_52 = tpu.memref_squeeze %dma_wait3A_51 : memref<1x1x2x100xi32, #tpu.memory_space<hbm>> -> memref<2x100xi32, #tpu.memory_space<hbm>>
      tpu.wait_dma2 semaphore(%run_scoped3A_37 : memref<!tpu.dma_semaphore, #tpu.memory_space<semaphore_mem>>) src(%dma_wait3A_52 : memref<2x100xi32, #tpu.memory_space<hbm>>) dst(%arg11 : memref<2x100xi32, #tpu.memory_space<vmem>>)
      tpu.yield
    }) : () -> ()
    %run_scoped3A_3 = arith.constant 1 : i32
    "tpu.region"() ({
      %run_scoped3A_37 = tpu.sem_alloc : memref<!tpu.dma_semaphore, #tpu.memory_space<semaphore_mem>>
      %dma_start3A_38 = arith.constant 0 : i32
      %dma_start3A_39 = arith.constant 0 : i32
      %dma_start3A_40 = tpu.memref_slice %arg3[%add3A, %run_scoped3A_3, %dma_start3A_38, %dma_start3A_39] : memref<32x100x2x100xi32, #tpu.memory_space<hbm>> -> memref<1x1x2x100xi32, #tpu.memory_space<hbm>>
      %dma_start3A_41 = tpu.memref_squeeze %dma_start3A_40 : memref<1x1x2x100xi32, #tpu.memory_space<hbm>> -> memref<2x100xi32, #tpu.memory_space<hbm>>
      %dma_start3A_42 = arith.constant 0 : i32
      %dma_start3A_43 = arith.constant 0 : i32
      %dma_start3A_44 = tpu.memref_slice %arg3[%add3A, %run_scoped3A_3, %dma_start3A_42, %dma_start3A_43] : memref<32x100x2x100xi32, #tpu.memory_space<hbm>> -> memref<1x1x2x100xi32, #tpu.memory_space<hbm>>
      %dma_start3A_45 = tpu.memref_squeeze %dma_start3A_44 : memref<1x1x2x100xi32, #tpu.memory_space<hbm>> -> memref<2x100xi32, #tpu.memory_space<hbm>>
      tpu.enqueue_dma source(%dma_start3A_45 : memref<2x100xi32, #tpu.memory_space<hbm>>) target(%arg12 : memref<2x100xi32, #tpu.memory_space<vmem>>) target_semaphore(%run_scoped3A_37 : memref<!tpu.dma_semaphore, #tpu.memory_space<semaphore_mem>>)
      %dma_wait3A = arith.constant 0 : i32
      %dma_wait3A_46 = arith.constant 0 : i32
      %dma_wait3A_47 = tpu.memref_slice %arg3[%add3A, %run_scoped3A_3, %dma_wait3A, %dma_wait3A_46] : memref<32x100x2x100xi32, #tpu.memory_space<hbm>> -> memref<1x1x2x100xi32, #tpu.memory_space<hbm>>
      %dma_wait3A_48 = tpu.memref_squeeze %dma_wait3A_47 : memref<1x1x2x100xi32, #tpu.memory_space<hbm>> -> memref<2x100xi32, #tpu.memory_space<hbm>>
      %dma_wait3A_49 = arith.constant 0 : i32
      %dma_wait3A_50 = arith.constant 0 : i32
      %dma_wait3A_51 = tpu.memref_slice %arg3[%add3A, %run_scoped3A_3, %dma_wait3A_49, %dma_wait3A_50] : memref<32x100x2x100xi32, #tpu.memory_space<hbm>> -> memref<1x1x2x100xi32, #tpu.memory_space<hbm>>
      %dma_wait3A_52 = tpu.memref_squeeze %dma_wait3A_51 : memref<1x1x2x100xi32, #tpu.memory_space<hbm>> -> memref<2x100xi32, #tpu.memory_space<hbm>>
      tpu.wait_dma2 semaphore(%run_scoped3A_37 : memref<!tpu.dma_semaphore, #tpu.memory_space<semaphore_mem>>) src(%dma_wait3A_52 : memref<2x100xi32, #tpu.memory_space<hbm>>) dst(%arg12 : memref<2x100xi32, #tpu.memory_space<vmem>>)
      tpu.yield
    }) : () -> ()
    %dma_start3A = arith.constant 0 : i32
    %dma_start3A_4 = arith.constant 0 : i32
    %dma_start3A_5 = tpu.memref_slice %arg11[%dma_start3A, %dma_start3A_4] : memref<2x100xi32, #tpu.memory_space<vmem>> -> memref<1x100xi32, #tpu.memory_space<vmem>>
    %dma_start3A_6 = tpu.memref_squeeze %dma_start3A_5 : memref<1x100xi32, #tpu.memory_space<vmem>> -> memref<100xi32, #tpu.memory_space<vmem>>
    %dma_start3A_7 = arith.constant 0 : i32
    %dma_start3A_8 = arith.constant 0 : i32
    %dma_start3A_9 = tpu.memref_slice %arg2[%dma_start3A_7, %dma_start3A_8] : memref<10000x128xf32, #tpu.memory_space<hbm>> -> memref<10000x128xf32, #tpu.memory_space<hbm>>
    tpu.enqueue_indirect_dma source(%dma_start3A_9 : memref<10000x128xf32, #tpu.memory_space<hbm>>) target(%arg13 : memref<100x128xf32, #tpu.memory_space<vmem>>) offsets(%dma_start3A_6 : memref<100xi32, #tpu.memory_space<vmem>>) semaphore(%arg18 : memref<!tpu.dma_semaphore, #tpu.memory_space<semaphore_mem>>)
    %scan3A = arith.constant 0 : i32
    %scan3A_10 = arith.constant 0 : i32
    %scan3A_11 = arith.constant 50 : i32
    %scan3A_12 = arith.addi %scan3A_10, %scan3A_11 : i32
    %scan3A_13 = arith.constant 1 : i32
    %scan3A_14 = scf.for %scan3A_37 = %scan3A_10 to %scan3A_12 step %scan3A_13 iter_args(%scan3A_38 = %scan3A) -> (i32)  : i32 {
      %mul3A_39 = arith.constant 2 : i32
      %mul3A_40 = arith.muli %mul3A_39, %scan3A_37 : i32
      %gt3A = arith.constant 0 : i32
      %gt3A_41 = arith.cmpi sgt, %scan3A_37, %gt3A : i32
      %convert_element_type3A_42 = arith.extui %gt3A_41 : i1 to i32
      %cond3A_43 = arith.constant 0 : i32
      %cond3A_44 = arith.cmpi ne, %convert_element_type3A_42, %cond3A_43 : i32
      scf.if %cond3A_44 {
        %dma_wait3A_77 = arith.constant 0 : i32
        %dma_wait3A_78 = arith.constant 0 : i32
        %dma_wait3A_79 = arith.constant 0 : i32
        %dma_wait3A_80 = tpu.memref_slice %arg3[%add3A, %dma_wait3A_77, %dma_wait3A_78, %dma_wait3A_79] : memref<32x100x2x100xi32, #tpu.memory_space<hbm>> -> memref<1x1x2x100xi32, #tpu.memory_space<hbm>>
        %dma_wait3A_81 = tpu.memref_squeeze %dma_wait3A_80 : memref<1x1x2x100xi32, #tpu.memory_space<hbm>> -> memref<2x100xi32, #tpu.memory_space<hbm>>
        %dma_wait3A_82 = arith.constant 0 : i32
        %dma_wait3A_83 = arith.constant 0 : i32
        %dma_wait3A_84 = tpu.memref_slice %arg3[%add3A, %dma_wait3A_77, %dma_wait3A_82, %dma_wait3A_83] : memref<32x100x2x100xi32, #tpu.memory_space<hbm>> -> memref<1x1x2x100xi32, #tpu.memory_space<hbm>>
        %dma_wait3A_85 = tpu.memref_squeeze %dma_wait3A_84 : memref<1x1x2x100xi32, #tpu.memory_space<hbm>> -> memref<2x100xi32, #tpu.memory_space<hbm>>
        tpu.wait_dma2 semaphore(%arg21 : memref<!tpu.dma_semaphore, #tpu.memory_space<semaphore_mem>>) src(%dma_wait3A_85 : memref<2x100xi32, #tpu.memory_space<hbm>>) dst(%arg12 : memref<2x100xi32, #tpu.memory_space<vmem>>)
      } else {
      }
      %dma_start3A_45 = arith.constant 0 : i32
      %dma_start3A_46 = arith.constant 0 : i32
      %dma_start3A_47 = tpu.memref_slice %arg12[%dma_start3A_45, %dma_start3A_46] : memref<2x100xi32, #tpu.memory_space<vmem>> -> memref<1x100xi32, #tpu.memory_space<vmem>>
      %dma_start3A_48 = tpu.memref_squeeze %dma_start3A_47 : memref<1x100xi32, #tpu.memory_space<vmem>> -> memref<100xi32, #tpu.memory_space<vmem>>
      %dma_start3A_49 = arith.constant 0 : i32
      %dma_start3A_50 = arith.constant 0 : i32
      %dma_start3A_51 = tpu.memref_slice %arg2[%dma_start3A_49, %dma_start3A_50] : memref<10000x128xf32, #tpu.memory_space<hbm>> -> memref<10000x128xf32, #tpu.memory_space<hbm>>
      tpu.enqueue_indirect_dma source(%dma_start3A_51 : memref<10000x128xf32, #tpu.memory_space<hbm>>) target(%arg14 : memref<100x128xf32, #tpu.memory_space<vmem>>) offsets(%dma_start3A_48 : memref<100xi32, #tpu.memory_space<vmem>>) semaphore(%arg19 : memref<!tpu.dma_semaphore, #tpu.memory_space<semaphore_mem>>)
      %dma_wait3A = arith.constant 0 : i32
      %dma_wait3A_52 = arith.constant 0 : i32
      %dma_wait3A_53 = tpu.memref_slice %arg11[%dma_wait3A, %dma_wait3A_52] : memref<2x100xi32, #tpu.memory_space<vmem>> -> memref<1x100xi32, #tpu.memory_space<vmem>>
      %dma_wait3A_54 = tpu.memref_squeeze %dma_wait3A_53 : memref<1x100xi32, #tpu.memory_space<vmem>> -> memref<100xi32, #tpu.memory_space<vmem>>
      %dma_wait3A_55 = arith.constant 0 : i32
      %dma_wait3A_56 = arith.constant 0 : i32
      %dma_wait3A_57 = tpu.memref_slice %arg2[%dma_wait3A_55, %dma_wait3A_56] : memref<10000x128xf32, #tpu.memory_space<hbm>> -> memref<10000x128xf32, #tpu.memory_space<hbm>>
      tpu.wait_indirect_dma semaphore(%arg18 : memref<!tpu.dma_semaphore, #tpu.memory_space<semaphore_mem>>) src(%dma_wait3A_57 : memref<10000x128xf32, #tpu.memory_space<hbm>>) dst(%arg13 : memref<100x128xf32, #tpu.memory_space<vmem>>)
      %run_scoped3A_58 = arith.constant 1 : i32
      "tpu.region"() ({
        %run_scoped3A_77 = tpu.sem_alloc : memref<!tpu.dma_semaphore, #tpu.memory_space<semaphore_mem>>
        %dma_start3A_78 = arith.constant 0 : i32
        %dma_start3A_79 = tpu.memref_slice %arg11[%run_scoped3A_58, %dma_start3A_78] : memref<2x100xi32, #tpu.memory_space<vmem>> -> memref<1x100xi32, #tpu.memory_space<vmem>>
        %dma_start3A_80 = tpu.memref_squeeze %dma_start3A_79 : memref<1x100xi32, #tpu.memory_space<vmem>> -> memref<100xi32, #tpu.memory_space<vmem>>
        %dma_start3A_81 = arith.constant 0 : i32
        %dma_start3A_82 = arith.constant 0 : i32
        %dma_start3A_83 = tpu.memref_slice %arg10[%dma_start3A_81, %dma_start3A_82] : memref<10000x128xf32, #tpu.memory_space<vmem_shared>> -> memref<10000x128xf32, #tpu.memory_space<vmem_shared>>
        tpu.enqueue_indirect_dma source(%arg13 : memref<100x128xf32, #tpu.memory_space<vmem>>) target(%dma_start3A_83 : memref<10000x128xf32, #tpu.memory_space<vmem_shared>>) offsets(%dma_start3A_80 : memref<100xi32, #tpu.memory_space<vmem>>) semaphore(%run_scoped3A_77 : memref<!tpu.dma_semaphore, #tpu.memory_space<semaphore_mem>>) {add = true}
        %dma_wait3A_84 = arith.constant 0 : i32
        %dma_wait3A_85 = tpu.memref_slice %arg11[%run_scoped3A_58, %dma_wait3A_84] : memref<2x100xi32, #tpu.memory_space<vmem>> -> memref<1x100xi32, #tpu.memory_space<vmem>>
        %dma_wait3A_86 = tpu.memref_squeeze %dma_wait3A_85 : memref<1x100xi32, #tpu.memory_space<vmem>> -> memref<100xi32, #tpu.memory_space<vmem>>
        %dma_wait3A_87 = arith.constant 0 : i32
        %dma_wait3A_88 = arith.constant 0 : i32
        %dma_wait3A_89 = tpu.memref_slice %arg10[%dma_wait3A_87, %dma_wait3A_88] : memref<10000x128xf32, #tpu.memory_space<vmem_shared>> -> memref<10000x128xf32, #tpu.memory_space<vmem_shared>>
        tpu.wait_indirect_dma semaphore(%run_scoped3A_77 : memref<!tpu.dma_semaphore, #tpu.memory_space<semaphore_mem>>) src(%arg13 : memref<100x128xf32, #tpu.memory_space<vmem>>) dst(%dma_wait3A_89 : memref<10000x128xf32, #tpu.memory_space<vmem_shared>>)
        tpu.yield
      }) : () -> ()
      %lt3A = arith.constant 49 : i32
      %lt3A_59 = arith.cmpi slt, %scan3A_37, %lt3A : i32
      %convert_element_type3A_60 = arith.extui %lt3A_59 : i1 to i32
      %cond3A_61 = arith.constant 0 : i32
      %cond3A_62 = arith.cmpi ne, %convert_element_type3A_60, %cond3A_61 : i32
      scf.if %cond3A_62 {
        %add3A_77 = arith.constant 2 : i32
        %add3A_78 = arith.addi %mul3A_40, %add3A_77 : i32
        %dma_start3A_79 = arith.constant 0 : i32
        %dma_start3A_80 = arith.constant 0 : i32
        %dma_start3A_81 = tpu.memref_slice %arg3[%add3A, %add3A_78, %dma_start3A_79, %dma_start3A_80] : memref<32x100x2x100xi32, #tpu.memory_space<hbm>> -> memref<1x1x2x100xi32, #tpu.memory_space<hbm>>
        %dma_start3A_82 = tpu.memref_squeeze %dma_start3A_81 : memref<1x1x2x100xi32, #tpu.memory_space<hbm>> -> memref<2x100xi32, #tpu.memory_space<hbm>>
        %dma_start3A_83 = arith.constant 0 : i32
        %dma_start3A_84 = arith.constant 0 : i32
        %dma_start3A_85 = tpu.memref_slice %arg3[%add3A, %add3A_78, %dma_start3A_83, %dma_start3A_84] : memref<32x100x2x100xi32, #tpu.memory_space<hbm>> -> memref<1x1x2x100xi32, #tpu.memory_space<hbm>>
        %dma_start3A_86 = tpu.memref_squeeze %dma_start3A_85 : memref<1x1x2x100xi32, #tpu.memory_space<hbm>> -> memref<2x100xi32, #tpu.memory_space<hbm>>
        tpu.enqueue_dma source(%dma_start3A_86 : memref<2x100xi32, #tpu.memory_space<hbm>>) target(%arg11 : memref<2x100xi32, #tpu.memory_space<vmem>>) target_semaphore(%arg20 : memref<!tpu.dma_semaphore, #tpu.memory_space<semaphore_mem>>)
      } else {
      }
      %dma_wait3A_63 = arith.constant 0 : i32
      %dma_wait3A_64 = arith.constant 0 : i32
      %dma_wait3A_65 = tpu.memref_slice %arg12[%dma_wait3A_63, %dma_wait3A_64] : memref<2x100xi32, #tpu.memory_space<vmem>> -> memref<1x100xi32, #tpu.memory_space<vmem>>
      %dma_wait3A_66 = tpu.memref_squeeze %dma_wait3A_65 : memref<1x100xi32, #tpu.memory_space<vmem>> -> memref<100xi32, #tpu.memory_space<vmem>>
      %dma_wait3A_67 = arith.constant 0 : i32
      %dma_wait3A_68 = arith.constant 0 : i32
      %dma_wait3A_69 = tpu.memref_slice %arg2[%dma_wait3A_67, %dma_wait3A_68] : memref<10000x128xf32, #tpu.memory_space<hbm>> -> memref<10000x128xf32, #tpu.memory_space<hbm>>
      tpu.wait_indirect_dma semaphore(%arg19 : memref<!tpu.dma_semaphore, #tpu.memory_space<semaphore_mem>>) src(%dma_wait3A_69 : memref<10000x128xf32, #tpu.memory_space<hbm>>) dst(%arg14 : memref<100x128xf32, #tpu.memory_space<vmem>>)
      %run_scoped3A_70 = arith.constant 1 : i32
      "tpu.region"() ({
        %run_scoped3A_77 = tpu.sem_alloc : memref<!tpu.dma_semaphore, #tpu.memory_space<semaphore_mem>>
        %dma_start3A_78 = arith.constant 0 : i32
        %dma_start3A_79 = tpu.memref_slice %arg12[%run_scoped3A_70, %dma_start3A_78] : memref<2x100xi32, #tpu.memory_space<vmem>> -> memref<1x100xi32, #tpu.memory_space<vmem>>
        %dma_start3A_80 = tpu.memref_squeeze %dma_start3A_79 : memref<1x100xi32, #tpu.memory_space<vmem>> -> memref<100xi32, #tpu.memory_space<vmem>>
        %dma_start3A_81 = arith.constant 0 : i32
        %dma_start3A_82 = arith.constant 0 : i32
        %dma_start3A_83 = tpu.memref_slice %arg10[%dma_start3A_81, %dma_start3A_82] : memref<10000x128xf32, #tpu.memory_space<vmem_shared>> -> memref<10000x128xf32, #tpu.memory_space<vmem_shared>>
        tpu.enqueue_indirect_dma source(%arg14 : memref<100x128xf32, #tpu.memory_space<vmem>>) target(%dma_start3A_83 : memref<10000x128xf32, #tpu.memory_space<vmem_shared>>) offsets(%dma_start3A_80 : memref<100xi32, #tpu.memory_space<vmem>>) semaphore(%run_scoped3A_77 : memref<!tpu.dma_semaphore, #tpu.memory_space<semaphore_mem>>) {add = true}
        %dma_wait3A_84 = arith.constant 0 : i32
        %dma_wait3A_85 = tpu.memref_slice %arg12[%run_scoped3A_70, %dma_wait3A_84] : memref<2x100xi32, #tpu.memory_space<vmem>> -> memref<1x100xi32, #tpu.memory_space<vmem>>
        %dma_wait3A_86 = tpu.memref_squeeze %dma_wait3A_85 : memref<1x100xi32, #tpu.memory_space<vmem>> -> memref<100xi32, #tpu.memory_space<vmem>>
        %dma_wait3A_87 = arith.constant 0 : i32
        %dma_wait3A_88 = arith.constant 0 : i32
        %dma_wait3A_89 = tpu.memref_slice %arg10[%dma_wait3A_87, %dma_wait3A_88] : memref<10000x128xf32, #tpu.memory_space<vmem_shared>> -> memref<10000x128xf32, #tpu.memory_space<vmem_shared>>
        tpu.wait_indirect_dma semaphore(%run_scoped3A_77 : memref<!tpu.dma_semaphore, #tpu.memory_space<semaphore_mem>>) src(%arg14 : memref<100x128xf32, #tpu.memory_space<vmem>>) dst(%dma_wait3A_89 : memref<10000x128xf32, #tpu.memory_space<vmem_shared>>)
        tpu.yield
      }) : () -> ()
      %lt3A_71 = arith.constant 49 : i32
      %lt3A_72 = arith.cmpi slt, %scan3A_37, %lt3A_71 : i32
      %convert_element_type3A_73 = arith.extui %lt3A_72 : i1 to i32
      %cond3A_74 = arith.constant 0 : i32
      %cond3A_75 = arith.cmpi ne, %convert_element_type3A_73, %cond3A_74 : i32
      scf.if %cond3A_75 {
        %add3A_77 = arith.constant 3 : i32
        %add3A_78 = arith.addi %mul3A_40, %add3A_77 : i32
        %dma_start3A_79 = arith.constant 0 : i32
        %dma_start3A_80 = arith.constant 0 : i32
        %dma_start3A_81 = tpu.memref_slice %arg3[%add3A, %add3A_78, %dma_start3A_79, %dma_start3A_80] : memref<32x100x2x100xi32, #tpu.memory_space<hbm>> -> memref<1x1x2x100xi32, #tpu.memory_space<hbm>>
        %dma_start3A_82 = tpu.memref_squeeze %dma_start3A_81 : memref<1x1x2x100xi32, #tpu.memory_space<hbm>> -> memref<2x100xi32, #tpu.memory_space<hbm>>
        %dma_start3A_83 = arith.constant 0 : i32
        %dma_start3A_84 = arith.constant 0 : i32
        %dma_start3A_85 = tpu.memref_slice %arg3[%add3A, %add3A_78, %dma_start3A_83, %dma_start3A_84] : memref<32x100x2x100xi32, #tpu.memory_space<hbm>> -> memref<1x1x2x100xi32, #tpu.memory_space<hbm>>
        %dma_start3A_86 = tpu.memref_squeeze %dma_start3A_85 : memref<1x1x2x100xi32, #tpu.memory_space<hbm>> -> memref<2x100xi32, #tpu.memory_space<hbm>>
        tpu.enqueue_dma source(%dma_start3A_86 : memref<2x100xi32, #tpu.memory_space<hbm>>) target(%arg12 : memref<2x100xi32, #tpu.memory_space<vmem>>) target_semaphore(%arg21 : memref<!tpu.dma_semaphore, #tpu.memory_space<semaphore_mem>>)
        %dma_wait3A_87 = arith.constant 0 : i32
        %dma_wait3A_88 = arith.constant 0 : i32
        %dma_wait3A_89 = arith.constant 0 : i32
        %dma_wait3A_90 = tpu.memref_slice %arg3[%add3A, %dma_wait3A_87, %dma_wait3A_88, %dma_wait3A_89] : memref<32x100x2x100xi32, #tpu.memory_space<hbm>> -> memref<1x1x2x100xi32, #tpu.memory_space<hbm>>
        %dma_wait3A_91 = tpu.memref_squeeze %dma_wait3A_90 : memref<1x1x2x100xi32, #tpu.memory_space<hbm>> -> memref<2x100xi32, #tpu.memory_space<hbm>>
        %dma_wait3A_92 = arith.constant 0 : i32
        %dma_wait3A_93 = arith.constant 0 : i32
        %dma_wait3A_94 = tpu.memref_slice %arg3[%add3A, %dma_wait3A_87, %dma_wait3A_92, %dma_wait3A_93] : memref<32x100x2x100xi32, #tpu.memory_space<hbm>> -> memref<1x1x2x100xi32, #tpu.memory_space<hbm>>
        %dma_wait3A_95 = tpu.memref_squeeze %dma_wait3A_94 : memref<1x1x2x100xi32, #tpu.memory_space<hbm>> -> memref<2x100xi32, #tpu.memory_space<hbm>>
        tpu.wait_dma2 semaphore(%arg20 : memref<!tpu.dma_semaphore, #tpu.memory_space<semaphore_mem>>) src(%dma_wait3A_95 : memref<2x100xi32, #tpu.memory_space<hbm>>) dst(%arg11 : memref<2x100xi32, #tpu.memory_space<vmem>>)
        %dma_start3A_96 = arith.constant 0 : i32
        %dma_start3A_97 = arith.constant 0 : i32
        %dma_start3A_98 = tpu.memref_slice %arg11[%dma_start3A_96, %dma_start3A_97] : memref<2x100xi32, #tpu.memory_space<vmem>> -> memref<1x100xi32, #tpu.memory_space<vmem>>
        %dma_start3A_99 = tpu.memref_squeeze %dma_start3A_98 : memref<1x100xi32, #tpu.memory_space<vmem>> -> memref<100xi32, #tpu.memory_space<vmem>>
        %dma_start3A_100 = arith.constant 0 : i32
        %dma_start3A_101 = arith.constant 0 : i32
        %dma_start3A_102 = tpu.memref_slice %arg2[%dma_start3A_100, %dma_start3A_101] : memref<10000x128xf32, #tpu.memory_space<hbm>> -> memref<10000x128xf32, #tpu.memory_space<hbm>>
        tpu.enqueue_indirect_dma source(%dma_start3A_102 : memref<10000x128xf32, #tpu.memory_space<hbm>>) target(%arg13 : memref<100x128xf32, #tpu.memory_space<vmem>>) offsets(%dma_start3A_99 : memref<100xi32, #tpu.memory_space<vmem>>) semaphore(%arg18 : memref<!tpu.dma_semaphore, #tpu.memory_space<semaphore_mem>>)
      } else {
      }
      %scan3A_76 = arith.constant 0 : i32
      scf.yield %scan3A_76 : i32
    }
    %scan3A_15 = arith.constant 50 : i32
    %barrier3A_16 = arith.constant 0 : index
    tpu.barrier barrier_id(%barrier3A_16)
    %mul3A_17 = arith.constant 625 : i32
    %mul3A_18 = arith.muli %arg1, %mul3A_17 : i32
    "tpu.region"() ({
      %run_scoped3A_37 = tpu.sem_alloc : memref<!tpu.dma_semaphore, #tpu.memory_space<semaphore_mem>>
      %dma_start3A_38 = arith.constant 0 : i32
      %dma_start3A_39 = arith.constant 0 : i32
      %dma_start3A_40 = tpu.memref_slice %arg8[%arg0, %arg1, %dma_start3A_38, %dma_start3A_39] : memref<2x16x625x128xf32, #tpu.memory_space<hbm>> -> memref<1x1x625x128xf32, #tpu.memory_space<hbm>>
      %dma_start3A_41 = tpu.memref_squeeze %dma_start3A_40 : memref<1x1x625x128xf32, #tpu.memory_space<hbm>> -> memref<625x128xf32, #tpu.memory_space<hbm>>
      %dma_start3A_42 = arith.constant 0 : i32
      %dma_start3A_43 = tpu.memref_slice %arg10[%mul3A_18, %dma_start3A_42] : memref<10000x128xf32, #tpu.memory_space<vmem_shared>> -> memref<625x128xf32, #tpu.memory_space<vmem_shared>>
      tpu.enqueue_dma source(%dma_start3A_43 : memref<625x128xf32, #tpu.memory_space<vmem_shared>>) target(%dma_start3A_41 : memref<625x128xf32, #tpu.memory_space<hbm>>) target_semaphore(%run_scoped3A_37 : memref<!tpu.dma_semaphore, #tpu.memory_space<semaphore_mem>>)
      %dma_wait3A = arith.constant 0 : i32
      %dma_wait3A_44 = arith.constant 0 : i32
      %dma_wait3A_45 = tpu.memref_slice %arg8[%arg0, %arg1, %dma_wait3A, %dma_wait3A_44] : memref<2x16x625x128xf32, #tpu.memory_space<hbm>> -> memref<1x1x625x128xf32, #tpu.memory_space<hbm>>
      %dma_wait3A_46 = tpu.memref_squeeze %dma_wait3A_45 : memref<1x1x625x128xf32, #tpu.memory_space<hbm>> -> memref<625x128xf32, #tpu.memory_space<hbm>>
      %dma_wait3A_47 = arith.constant 0 : i32
      %dma_wait3A_48 = tpu.memref_slice %arg10[%mul3A_18, %dma_wait3A_47] : memref<10000x128xf32, #tpu.memory_space<vmem_shared>> -> memref<625x128xf32, #tpu.memory_space<vmem_shared>>
      tpu.wait_dma2 semaphore(%run_scoped3A_37 : memref<!tpu.dma_semaphore, #tpu.memory_space<semaphore_mem>>) src(%dma_wait3A_48 : memref<625x128xf32, #tpu.memory_space<vmem_shared>>) dst(%dma_wait3A_46 : memref<625x128xf32, #tpu.memory_space<hbm>>)
      tpu.yield
    }) : () -> ()
    %barrier3A_19 = arith.constant 0 : index
    tpu.barrier barrier_id(%barrier3A_19)
    %mul3A_20 = arith.constant 625 : i32
    %mul3A_21 = arith.muli %arg1, %mul3A_20 : i32
    "tpu.region"() ({
      %run_scoped3A_37 = tpu.sem_alloc : memref<!tpu.dma_semaphore, #tpu.memory_space<semaphore_mem>>
      %dma_start3A_38 = arith.constant 0 : i32
      %dma_start3A_39 = tpu.memref_slice %arg10[%mul3A_21, %dma_start3A_38] : memref<10000x128xf32, #tpu.memory_space<vmem_shared>> -> memref<625x128xf32, #tpu.memory_space<vmem_shared>>
      tpu.enqueue_dma source(%arg5 : memref<625x128xf32, #tpu.memory_space<hbm>>) target(%dma_start3A_39 : memref<625x128xf32, #tpu.memory_space<vmem_shared>>) target_semaphore(%run_scoped3A_37 : memref<!tpu.dma_semaphore, #tpu.memory_space<semaphore_mem>>)
      %dma_wait3A = arith.constant 0 : i32
      %dma_wait3A_40 = tpu.memref_slice %arg10[%mul3A_21, %dma_wait3A] : memref<10000x128xf32, #tpu.memory_space<vmem_shared>> -> memref<625x128xf32, #tpu.memory_space<vmem_shared>>
      tpu.wait_dma2 semaphore(%run_scoped3A_37 : memref<!tpu.dma_semaphore, #tpu.memory_space<semaphore_mem>>) src(%arg5 : memref<625x128xf32, #tpu.memory_space<hbm>>) dst(%dma_wait3A_40 : memref<625x128xf32, #tpu.memory_space<vmem_shared>>)
      tpu.yield
    }) : () -> ()
    %barrier3A_22 = arith.constant 0 : index
    tpu.barrier barrier_id(%barrier3A_22)
    %run_scoped3A_23 = arith.constant 0 : i32
    "tpu.region"() ({
      %run_scoped3A_37 = tpu.sem_alloc : memref<!tpu.dma_semaphore, #tpu.memory_space<semaphore_mem>>
      %dma_start3A_38 = arith.constant 0 : i32
      %dma_start3A_39 = arith.constant 0 : i32
      %dma_start3A_40 = tpu.memref_slice %arg3[%add3A, %run_scoped3A_23, %dma_start3A_38, %dma_start3A_39] : memref<32x100x2x100xi32, #tpu.memory_space<hbm>> -> memref<1x1x2x100xi32, #tpu.memory_space<hbm>>
      %dma_start3A_41 = tpu.memref_squeeze %dma_start3A_40 : memref<1x1x2x100xi32, #tpu.memory_space<hbm>> -> memref<2x100xi32, #tpu.memory_space<hbm>>
      %dma_start3A_42 = arith.constant 0 : i32
      %dma_start3A_43 = arith.constant 0 : i32
      %dma_start3A_44 = tpu.memref_slice %arg3[%add3A, %run_scoped3A_23, %dma_start3A_42, %dma_start3A_43] : memref<32x100x2x100xi32, #tpu.memory_space<hbm>> -> memref<1x1x2x100xi32, #tpu.memory_space<hbm>>
      %dma_start3A_45 = tpu.memref_squeeze %dma_start3A_44 : memref<1x1x2x100xi32, #tpu.memory_space<hbm>> -> memref<2x100xi32, #tpu.memory_space<hbm>>
      tpu.enqueue_dma source(%dma_start3A_45 : memref<2x100xi32, #tpu.memory_space<hbm>>) target(%arg11 : memref<2x100xi32, #tpu.memory_space<vmem>>) target_semaphore(%run_scoped3A_37 : memref<!tpu.dma_semaphore, #tpu.memory_space<semaphore_mem>>)
      %dma_wait3A = arith.constant 0 : i32
      %dma_wait3A_46 = arith.constant 0 : i32
      %dma_wait3A_47 = tpu.memref_slice %arg3[%add3A, %run_scoped3A_23, %dma_wait3A, %dma_wait3A_46] : memref<32x100x2x100xi32, #tpu.memory_space<hbm>> -> memref<1x1x2x100xi32, #tpu.memory_space<hbm>>
      %dma_wait3A_48 = tpu.memref_squeeze %dma_wait3A_47 : memref<1x1x2x100xi32, #tpu.memory_space<hbm>> -> memref<2x100xi32, #tpu.memory_space<hbm>>
      %dma_wait3A_49 = arith.constant 0 : i32
      %dma_wait3A_50 = arith.constant 0 : i32
      %dma_wait3A_51 = tpu.memref_slice %arg3[%add3A, %run_scoped3A_23, %dma_wait3A_49, %dma_wait3A_50] : memref<32x100x2x100xi32, #tpu.memory_space<hbm>> -> memref<1x1x2x100xi32, #tpu.memory_space<hbm>>
      %dma_wait3A_52 = tpu.memref_squeeze %dma_wait3A_51 : memref<1x1x2x100xi32, #tpu.memory_space<hbm>> -> memref<2x100xi32, #tpu.memory_space<hbm>>
      tpu.wait_dma2 semaphore(%run_scoped3A_37 : memref<!tpu.dma_semaphore, #tpu.memory_space<semaphore_mem>>) src(%dma_wait3A_52 : memref<2x100xi32, #tpu.memory_space<hbm>>) dst(%arg11 : memref<2x100xi32, #tpu.memory_space<vmem>>)
      tpu.yield
    }) : () -> ()
    %run_scoped3A_24 = arith.constant 1 : i32
    "tpu.region"() ({
      %run_scoped3A_37 = tpu.sem_alloc : memref<!tpu.dma_semaphore, #tpu.memory_space<semaphore_mem>>
      %dma_start3A_38 = arith.constant 0 : i32
      %dma_start3A_39 = arith.constant 0 : i32
      %dma_start3A_40 = tpu.memref_slice %arg3[%add3A, %run_scoped3A_24, %dma_start3A_38, %dma_start3A_39] : memref<32x100x2x100xi32, #tpu.memory_space<hbm>> -> memref<1x1x2x100xi32, #tpu.memory_space<hbm>>
      %dma_start3A_41 = tpu.memref_squeeze %dma_start3A_40 : memref<1x1x2x100xi32, #tpu.memory_space<hbm>> -> memref<2x100xi32, #tpu.memory_space<hbm>>
      %dma_start3A_42 = arith.constant 0 : i32
      %dma_start3A_43 = arith.constant 0 : i32
      %dma_start3A_44 = tpu.memref_slice %arg3[%add3A, %run_scoped3A_24, %dma_start3A_42, %dma_start3A_43] : memref<32x100x2x100xi32, #tpu.memory_space<hbm>> -> memref<1x1x2x100xi32, #tpu.memory_space<hbm>>
      %dma_start3A_45 = tpu.memref_squeeze %dma_start3A_44 : memref<1x1x2x100xi32, #tpu.memory_space<hbm>> -> memref<2x100xi32, #tpu.memory_space<hbm>>
      tpu.enqueue_dma source(%dma_start3A_45 : memref<2x100xi32, #tpu.memory_space<hbm>>) target(%arg12 : memref<2x100xi32, #tpu.memory_space<vmem>>) target_semaphore(%run_scoped3A_37 : memref<!tpu.dma_semaphore, #tpu.memory_space<semaphore_mem>>)
      %dma_wait3A = arith.constant 0 : i32
      %dma_wait3A_46 = arith.constant 0 : i32
      %dma_wait3A_47 = tpu.memref_slice %arg3[%add3A, %run_scoped3A_24, %dma_wait3A, %dma_wait3A_46] : memref<32x100x2x100xi32, #tpu.memory_space<hbm>> -> memref<1x1x2x100xi32, #tpu.memory_space<hbm>>
      %dma_wait3A_48 = tpu.memref_squeeze %dma_wait3A_47 : memref<1x1x2x100xi32, #tpu.memory_space<hbm>> -> memref<2x100xi32, #tpu.memory_space<hbm>>
      %dma_wait3A_49 = arith.constant 0 : i32
      %dma_wait3A_50 = arith.constant 0 : i32
      %dma_wait3A_51 = tpu.memref_slice %arg3[%add3A, %run_scoped3A_24, %dma_wait3A_49, %dma_wait3A_50] : memref<32x100x2x100xi32, #tpu.memory_space<hbm>> -> memref<1x1x2x100xi32, #tpu.memory_space<hbm>>
      %dma_wait3A_52 = tpu.memref_squeeze %dma_wait3A_51 : memref<1x1x2x100xi32, #tpu.memory_space<hbm>> -> memref<2x100xi32, #tpu.memory_space<hbm>>
      tpu.wait_dma2 semaphore(%run_scoped3A_37 : memref<!tpu.dma_semaphore, #tpu.memory_space<semaphore_mem>>) src(%dma_wait3A_52 : memref<2x100xi32, #tpu.memory_space<hbm>>) dst(%arg12 : memref<2x100xi32, #tpu.memory_space<vmem>>)
      tpu.yield
    }) : () -> ()
    %scan3A_25 = arith.constant 0 : i32
    %scan3A_26 = arith.constant 0 : i32
    %scan3A_27 = arith.constant 50 : i32
    %scan3A_28 = arith.addi %scan3A_26, %scan3A_27 : i32
    %scan3A_29 = arith.constant 1 : i32
    %scan3A_30 = scf.for %scan3A_37 = %scan3A_26 to %scan3A_28 step %scan3A_29 iter_args(%scan3A_38 = %scan3A_25) -> (i32)  : i32 {
      %mul3A_39 = arith.constant 2 : i32
      %mul3A_40 = arith.muli %mul3A_39, %scan3A_37 : i32
      %gt3A = arith.constant 0 : i32
      %gt3A_41 = arith.cmpi sgt, %scan3A_37, %gt3A : i32
      %convert_element_type3A_42 = arith.extui %gt3A_41 : i1 to i32
      %cond3A_43 = arith.constant 0 : i32
      %cond3A_44 = arith.cmpi ne, %convert_element_type3A_42, %cond3A_43 : i32
      scf.if %cond3A_44 {
        %dma_wait3A = arith.constant 0 : i32
        %dma_wait3A_57 = arith.constant 0 : i32
        %dma_wait3A_58 = arith.constant 0 : i32
        %dma_wait3A_59 = tpu.memref_slice %arg3[%add3A, %dma_wait3A, %dma_wait3A_57, %dma_wait3A_58] : memref<32x100x2x100xi32, #tpu.memory_space<hbm>> -> memref<1x1x2x100xi32, #tpu.memory_space<hbm>>
        %dma_wait3A_60 = tpu.memref_squeeze %dma_wait3A_59 : memref<1x1x2x100xi32, #tpu.memory_space<hbm>> -> memref<2x100xi32, #tpu.memory_space<hbm>>
        %dma_wait3A_61 = arith.constant 0 : i32
        %dma_wait3A_62 = arith.constant 0 : i32
        %dma_wait3A_63 = tpu.memref_slice %arg3[%add3A, %dma_wait3A, %dma_wait3A_61, %dma_wait3A_62] : memref<32x100x2x100xi32, #tpu.memory_space<hbm>> -> memref<1x1x2x100xi32, #tpu.memory_space<hbm>>
        %dma_wait3A_64 = tpu.memref_squeeze %dma_wait3A_63 : memref<1x1x2x100xi32, #tpu.memory_space<hbm>> -> memref<2x100xi32, #tpu.memory_space<hbm>>
        tpu.wait_dma2 semaphore(%arg21 : memref<!tpu.dma_semaphore, #tpu.memory_space<semaphore_mem>>) src(%dma_wait3A_64 : memref<2x100xi32, #tpu.memory_space<hbm>>) dst(%arg12 : memref<2x100xi32, #tpu.memory_space<vmem>>)
      } else {
      }
      %run_scoped3A_45 = arith.constant 1 : i32
      "tpu.region"() ({
        %run_scoped3A_57 = tpu.sem_alloc : memref<!tpu.dma_semaphore, #tpu.memory_space<semaphore_mem>>
        %dma_start3A_58 = arith.constant 0 : i32
        %dma_start3A_59 = tpu.memref_slice %arg11[%run_scoped3A_45, %dma_start3A_58] : memref<2x100xi32, #tpu.memory_space<vmem>> -> memref<1x100xi32, #tpu.memory_space<vmem>>
        %dma_start3A_60 = tpu.memref_squeeze %dma_start3A_59 : memref<1x100xi32, #tpu.memory_space<vmem>> -> memref<100xi32, #tpu.memory_space<vmem>>
        %dma_start3A_61 = arith.constant 0 : i32
        %dma_start3A_62 = arith.constant 0 : i32
        %dma_start3A_63 = tpu.memref_slice %arg10[%dma_start3A_61, %dma_start3A_62] : memref<10000x128xf32, #tpu.memory_space<vmem_shared>> -> memref<10000x128xf32, #tpu.memory_space<vmem_shared>>
        tpu.enqueue_indirect_dma source(%arg15 : memref<100x128xf32, #tpu.memory_space<vmem>>) target(%dma_start3A_63 : memref<10000x128xf32, #tpu.memory_space<vmem_shared>>) offsets(%dma_start3A_60 : memref<100xi32, #tpu.memory_space<vmem>>) semaphore(%run_scoped3A_57 : memref<!tpu.dma_semaphore, #tpu.memory_space<semaphore_mem>>) {add = true}
        %dma_wait3A = arith.constant 0 : i32
        %dma_wait3A_64 = tpu.memref_slice %arg11[%run_scoped3A_45, %dma_wait3A] : memref<2x100xi32, #tpu.memory_space<vmem>> -> memref<1x100xi32, #tpu.memory_space<vmem>>
        %dma_wait3A_65 = tpu.memref_squeeze %dma_wait3A_64 : memref<1x100xi32, #tpu.memory_space<vmem>> -> memref<100xi32, #tpu.memory_space<vmem>>
        %dma_wait3A_66 = arith.constant 0 : i32
        %dma_wait3A_67 = arith.constant 0 : i32
        %dma_wait3A_68 = tpu.memref_slice %arg10[%dma_wait3A_66, %dma_wait3A_67] : memref<10000x128xf32, #tpu.memory_space<vmem_shared>> -> memref<10000x128xf32, #tpu.memory_space<vmem_shared>>
        tpu.wait_indirect_dma semaphore(%run_scoped3A_57 : memref<!tpu.dma_semaphore, #tpu.memory_space<semaphore_mem>>) src(%arg15 : memref<100x128xf32, #tpu.memory_space<vmem>>) dst(%dma_wait3A_68 : memref<10000x128xf32, #tpu.memory_space<vmem_shared>>)
        tpu.yield
      }) : () -> ()
      %lt3A = arith.constant 49 : i32
      %lt3A_46 = arith.cmpi slt, %scan3A_37, %lt3A : i32
      %convert_element_type3A_47 = arith.extui %lt3A_46 : i1 to i32
      %cond3A_48 = arith.constant 0 : i32
      %cond3A_49 = arith.cmpi ne, %convert_element_type3A_47, %cond3A_48 : i32
      scf.if %cond3A_49 {
        %add3A_57 = arith.constant 2 : i32
        %add3A_58 = arith.addi %mul3A_40, %add3A_57 : i32
        %dma_start3A_59 = arith.constant 0 : i32
        %dma_start3A_60 = arith.constant 0 : i32
        %dma_start3A_61 = tpu.memref_slice %arg3[%add3A, %add3A_58, %dma_start3A_59, %dma_start3A_60] : memref<32x100x2x100xi32, #tpu.memory_space<hbm>> -> memref<1x1x2x100xi32, #tpu.memory_space<hbm>>
        %dma_start3A_62 = tpu.memref_squeeze %dma_start3A_61 : memref<1x1x2x100xi32, #tpu.memory_space<hbm>> -> memref<2x100xi32, #tpu.memory_space<hbm>>
        %dma_start3A_63 = arith.constant 0 : i32
        %dma_start3A_64 = arith.constant 0 : i32
        %dma_start3A_65 = tpu.memref_slice %arg3[%add3A, %add3A_58, %dma_start3A_63, %dma_start3A_64] : memref<32x100x2x100xi32, #tpu.memory_space<hbm>> -> memref<1x1x2x100xi32, #tpu.memory_space<hbm>>
        %dma_start3A_66 = tpu.memref_squeeze %dma_start3A_65 : memref<1x1x2x100xi32, #tpu.memory_space<hbm>> -> memref<2x100xi32, #tpu.memory_space<hbm>>
        tpu.enqueue_dma source(%dma_start3A_66 : memref<2x100xi32, #tpu.memory_space<hbm>>) target(%arg11 : memref<2x100xi32, #tpu.memory_space<vmem>>) target_semaphore(%arg20 : memref<!tpu.dma_semaphore, #tpu.memory_space<semaphore_mem>>)
      } else {
      }
      %run_scoped3A_50 = arith.constant 1 : i32
      "tpu.region"() ({
        %run_scoped3A_57 = tpu.sem_alloc : memref<!tpu.dma_semaphore, #tpu.memory_space<semaphore_mem>>
        %dma_start3A_58 = arith.constant 0 : i32
        %dma_start3A_59 = tpu.memref_slice %arg12[%run_scoped3A_50, %dma_start3A_58] : memref<2x100xi32, #tpu.memory_space<vmem>> -> memref<1x100xi32, #tpu.memory_space<vmem>>
        %dma_start3A_60 = tpu.memref_squeeze %dma_start3A_59 : memref<1x100xi32, #tpu.memory_space<vmem>> -> memref<100xi32, #tpu.memory_space<vmem>>
        %dma_start3A_61 = arith.constant 0 : i32
        %dma_start3A_62 = arith.constant 0 : i32
        %dma_start3A_63 = tpu.memref_slice %arg10[%dma_start3A_61, %dma_start3A_62] : memref<10000x128xf32, #tpu.memory_space<vmem_shared>> -> memref<10000x128xf32, #tpu.memory_space<vmem_shared>>
        tpu.enqueue_indirect_dma source(%arg15 : memref<100x128xf32, #tpu.memory_space<vmem>>) target(%dma_start3A_63 : memref<10000x128xf32, #tpu.memory_space<vmem_shared>>) offsets(%dma_start3A_60 : memref<100xi32, #tpu.memory_space<vmem>>) semaphore(%run_scoped3A_57 : memref<!tpu.dma_semaphore, #tpu.memory_space<semaphore_mem>>) {add = true}
        %dma_wait3A = arith.constant 0 : i32
        %dma_wait3A_64 = tpu.memref_slice %arg12[%run_scoped3A_50, %dma_wait3A] : memref<2x100xi32, #tpu.memory_space<vmem>> -> memref<1x100xi32, #tpu.memory_space<vmem>>
        %dma_wait3A_65 = tpu.memref_squeeze %dma_wait3A_64 : memref<1x100xi32, #tpu.memory_space<vmem>> -> memref<100xi32, #tpu.memory_space<vmem>>
        %dma_wait3A_66 = arith.constant 0 : i32
        %dma_wait3A_67 = arith.constant 0 : i32
        %dma_wait3A_68 = tpu.memref_slice %arg10[%dma_wait3A_66, %dma_wait3A_67] : memref<10000x128xf32, #tpu.memory_space<vmem_shared>> -> memref<10000x128xf32, #tpu.memory_space<vmem_shared>>
        tpu.wait_indirect_dma semaphore(%run_scoped3A_57 : memref<!tpu.dma_semaphore, #tpu.memory_space<semaphore_mem>>) src(%arg15 : memref<100x128xf32, #tpu.memory_space<vmem>>) dst(%dma_wait3A_68 : memref<10000x128xf32, #tpu.memory_space<vmem_shared>>)
        tpu.yield
      }) : () -> ()
      %lt3A_51 = arith.constant 49 : i32
      %lt3A_52 = arith.cmpi slt, %scan3A_37, %lt3A_51 : i32
      %convert_element_type3A_53 = arith.extui %lt3A_52 : i1 to i32
      %cond3A_54 = arith.constant 0 : i32
      %cond3A_55 = arith.cmpi ne, %convert_element_type3A_53, %cond3A_54 : i32
      scf.if %cond3A_55 {
        %add3A_57 = arith.constant 3 : i32
        %add3A_58 = arith.addi %mul3A_40, %add3A_57 : i32
        %dma_start3A_59 = arith.constant 0 : i32
        %dma_start3A_60 = arith.constant 0 : i32
        %dma_start3A_61 = tpu.memref_slice %arg3[%add3A, %add3A_58, %dma_start3A_59, %dma_start3A_60] : memref<32x100x2x100xi32, #tpu.memory_space<hbm>> -> memref<1x1x2x100xi32, #tpu.memory_space<hbm>>
        %dma_start3A_62 = tpu.memref_squeeze %dma_start3A_61 : memref<1x1x2x100xi32, #tpu.memory_space<hbm>> -> memref<2x100xi32, #tpu.memory_space<hbm>>
        %dma_start3A_63 = arith.constant 0 : i32
        %dma_start3A_64 = arith.constant 0 : i32
        %dma_start3A_65 = tpu.memref_slice %arg3[%add3A, %add3A_58, %dma_start3A_63, %dma_start3A_64] : memref<32x100x2x100xi32, #tpu.memory_space<hbm>> -> memref<1x1x2x100xi32, #tpu.memory_space<hbm>>
        %dma_start3A_66 = tpu.memref_squeeze %dma_start3A_65 : memref<1x1x2x100xi32, #tpu.memory_space<hbm>> -> memref<2x100xi32, #tpu.memory_space<hbm>>
        tpu.enqueue_dma source(%dma_start3A_66 : memref<2x100xi32, #tpu.memory_space<hbm>>) target(%arg12 : memref<2x100xi32, #tpu.memory_space<vmem>>) target_semaphore(%arg21 : memref<!tpu.dma_semaphore, #tpu.memory_space<semaphore_mem>>)
        %dma_wait3A = arith.constant 0 : i32
        %dma_wait3A_67 = arith.constant 0 : i32
        %dma_wait3A_68 = arith.constant 0 : i32
        %dma_wait3A_69 = tpu.memref_slice %arg3[%add3A, %dma_wait3A, %dma_wait3A_67, %dma_wait3A_68] : memref<32x100x2x100xi32, #tpu.memory_space<hbm>> -> memref<1x1x2x100xi32, #tpu.memory_space<hbm>>
        %dma_wait3A_70 = tpu.memref_squeeze %dma_wait3A_69 : memref<1x1x2x100xi32, #tpu.memory_space<hbm>> -> memref<2x100xi32, #tpu.memory_space<hbm>>
        %dma_wait3A_71 = arith.constant 0 : i32
        %dma_wait3A_72 = arith.constant 0 : i32
        %dma_wait3A_73 = tpu.memref_slice %arg3[%add3A, %dma_wait3A, %dma_wait3A_71, %dma_wait3A_72] : memref<32x100x2x100xi32, #tpu.memory_space<hbm>> -> memref<1x1x2x100xi32, #tpu.memory_space<hbm>>
        %dma_wait3A_74 = tpu.memref_squeeze %dma_wait3A_73 : memref<1x1x2x100xi32, #tpu.memory_space<hbm>> -> memref<2x100xi32, #tpu.memory_space<hbm>>
        tpu.wait_dma2 semaphore(%arg20 : memref<!tpu.dma_semaphore, #tpu.memory_space<semaphore_mem>>) src(%dma_wait3A_74 : memref<2x100xi32, #tpu.memory_space<hbm>>) dst(%arg11 : memref<2x100xi32, #tpu.memory_space<vmem>>)
      } else {
      }
      %scan3A_56 = arith.constant 0 : i32
      scf.yield %scan3A_56 : i32
    }
    %scan3A_31 = arith.constant 50 : i32
    %eq3A = arith.constant 0 : i32
    %eq3A_32 = arith.cmpi eq, %arg0, %eq3A : i32
    %convert_element_type3A = arith.extui %eq3A_32 : i1 to i32
    %cond3A = arith.constant 0 : i32
    %cond3A_33 = arith.cmpi ne, %convert_element_type3A, %cond3A : i32
    scf.if %cond3A_33 {
      %run_scoped3A_37 = arith.constant 0 : i32
      "tpu.region"() ({
        %run_scoped3A_41 = tpu.sem_alloc : memref<!tpu.dma_semaphore, #tpu.memory_space<semaphore_mem>>
        %dma_start3A_42 = arith.constant 0 : i32
        %dma_start3A_43 = tpu.memref_slice %arg17[%run_scoped3A_37, %dma_start3A_42] : memref<4x16xi32, #tpu.memory_space<vmem>> -> memref<1x16xi32, #tpu.memory_space<vmem>>
        %dma_start3A_44 = tpu.memref_squeeze %dma_start3A_43 : memref<1x16xi32, #tpu.memory_space<vmem>> -> memref<16xi32, #tpu.memory_space<vmem>>
        %dma_start3A_45 = arith.constant 0 : i32
        %dma_start3A_46 = arith.constant 0 : i32
        %dma_start3A_47 = tpu.memref_slice %arg10[%dma_start3A_45, %dma_start3A_46] : memref<10000x128xf32, #tpu.memory_space<vmem_shared>> -> memref<10000x128xf32, #tpu.memory_space<vmem_shared>>
        tpu.enqueue_indirect_dma source(%arg16 : memref<16x128xf32, #tpu.memory_space<vmem>>) target(%dma_start3A_47 : memref<10000x128xf32, #tpu.memory_space<vmem_shared>>) offsets(%dma_start3A_44 : memref<16xi32, #tpu.memory_space<vmem>>) semaphore(%run_scoped3A_41 : memref<!tpu.dma_semaphore, #tpu.memory_space<semaphore_mem>>) {add = true}
        %dma_wait3A = arith.constant 0 : i32
        %dma_wait3A_48 = tpu.memref_slice %arg17[%run_scoped3A_37, %dma_wait3A] : memref<4x16xi32, #tpu.memory_space<vmem>> -> memref<1x16xi32, #tpu.memory_space<vmem>>
        %dma_wait3A_49 = tpu.memref_squeeze %dma_wait3A_48 : memref<1x16xi32, #tpu.memory_space<vmem>> -> memref<16xi32, #tpu.memory_space<vmem>>
        %dma_wait3A_50 = arith.constant 0 : i32
        %dma_wait3A_51 = arith.constant 0 : i32
        %dma_wait3A_52 = tpu.memref_slice %arg10[%dma_wait3A_50, %dma_wait3A_51] : memref<10000x128xf32, #tpu.memory_space<vmem_shared>> -> memref<10000x128xf32, #tpu.memory_space<vmem_shared>>
        tpu.wait_indirect_dma semaphore(%run_scoped3A_41 : memref<!tpu.dma_semaphore, #tpu.memory_space<semaphore_mem>>) src(%arg16 : memref<16x128xf32, #tpu.memory_space<vmem>>) dst(%dma_wait3A_52 : memref<10000x128xf32, #tpu.memory_space<vmem_shared>>)
        tpu.yield
      }) : () -> ()
      %run_scoped3A_38 = arith.constant 1 : i32
      "tpu.region"() ({
        %run_scoped3A_41 = tpu.sem_alloc : memref<!tpu.dma_semaphore, #tpu.memory_space<semaphore_mem>>
        %dma_start3A_42 = arith.constant 0 : i32
        %dma_start3A_43 = tpu.memref_slice %arg17[%run_scoped3A_38, %dma_start3A_42] : memref<4x16xi32, #tpu.memory_space<vmem>> -> memref<1x16xi32, #tpu.memory_space<vmem>>
        %dma_start3A_44 = tpu.memref_squeeze %dma_start3A_43 : memref<1x16xi32, #tpu.memory_space<vmem>> -> memref<16xi32, #tpu.memory_space<vmem>>
        %dma_start3A_45 = arith.constant 0 : i32
        %dma_start3A_46 = arith.constant 0 : i32
        %dma_start3A_47 = tpu.memref_slice %arg10[%dma_start3A_45, %dma_start3A_46] : memref<10000x128xf32, #tpu.memory_space<vmem_shared>> -> memref<10000x128xf32, #tpu.memory_space<vmem_shared>>
        tpu.enqueue_indirect_dma source(%arg16 : memref<16x128xf32, #tpu.memory_space<vmem>>) target(%dma_start3A_47 : memref<10000x128xf32, #tpu.memory_space<vmem_shared>>) offsets(%dma_start3A_44 : memref<16xi32, #tpu.memory_space<vmem>>) semaphore(%run_scoped3A_41 : memref<!tpu.dma_semaphore, #tpu.memory_space<semaphore_mem>>) {add = true}
        %dma_wait3A = arith.constant 0 : i32
        %dma_wait3A_48 = tpu.memref_slice %arg17[%run_scoped3A_38, %dma_wait3A] : memref<4x16xi32, #tpu.memory_space<vmem>> -> memref<1x16xi32, #tpu.memory_space<vmem>>
        %dma_wait3A_49 = tpu.memref_squeeze %dma_wait3A_48 : memref<1x16xi32, #tpu.memory_space<vmem>> -> memref<16xi32, #tpu.memory_space<vmem>>
        %dma_wait3A_50 = arith.constant 0 : i32
        %dma_wait3A_51 = arith.constant 0 : i32
        %dma_wait3A_52 = tpu.memref_slice %arg10[%dma_wait3A_50, %dma_wait3A_51] : memref<10000x128xf32, #tpu.memory_space<vmem_shared>> -> memref<10000x128xf32, #tpu.memory_space<vmem_shared>>
        tpu.wait_indirect_dma semaphore(%run_scoped3A_41 : memref<!tpu.dma_semaphore, #tpu.memory_space<semaphore_mem>>) src(%arg16 : memref<16x128xf32, #tpu.memory_space<vmem>>) dst(%dma_wait3A_52 : memref<10000x128xf32, #tpu.memory_space<vmem_shared>>)
        tpu.yield
      }) : () -> ()
      %run_scoped3A_39 = arith.constant 2 : i32
      "tpu.region"() ({
        %run_scoped3A_41 = tpu.sem_alloc : memref<!tpu.dma_semaphore, #tpu.memory_space<semaphore_mem>>
        %dma_start3A_42 = arith.constant 0 : i32
        %dma_start3A_43 = tpu.memref_slice %arg17[%run_scoped3A_39, %dma_start3A_42] : memref<4x16xi32, #tpu.memory_space<vmem>> -> memref<1x16xi32, #tpu.memory_space<vmem>>
        %dma_start3A_44 = tpu.memref_squeeze %dma_start3A_43 : memref<1x16xi32, #tpu.memory_space<vmem>> -> memref<16xi32, #tpu.memory_space<vmem>>
        %dma_start3A_45 = arith.constant 0 : i32
        %dma_start3A_46 = arith.constant 0 : i32
        %dma_start3A_47 = tpu.memref_slice %arg10[%dma_start3A_45, %dma_start3A_46] : memref<10000x128xf32, #tpu.memory_space<vmem_shared>> -> memref<10000x128xf32, #tpu.memory_space<vmem_shared>>
        tpu.enqueue_indirect_dma source(%arg16 : memref<16x128xf32, #tpu.memory_space<vmem>>) target(%dma_start3A_47 : memref<10000x128xf32, #tpu.memory_space<vmem_shared>>) offsets(%dma_start3A_44 : memref<16xi32, #tpu.memory_space<vmem>>) semaphore(%run_scoped3A_41 : memref<!tpu.dma_semaphore, #tpu.memory_space<semaphore_mem>>) {add = true}
        %dma_wait3A = arith.constant 0 : i32
        %dma_wait3A_48 = tpu.memref_slice %arg17[%run_scoped3A_39, %dma_wait3A] : memref<4x16xi32, #tpu.memory_space<vmem>> -> memref<1x16xi32, #tpu.memory_space<vmem>>
        %dma_wait3A_49 = tpu.memref_squeeze %dma_wait3A_48 : memref<1x16xi32, #tpu.memory_space<vmem>> -> memref<16xi32, #tpu.memory_space<vmem>>
        %dma_wait3A_50 = arith.constant 0 : i32
        %dma_wait3A_51 = arith.constant 0 : i32
        %dma_wait3A_52 = tpu.memref_slice %arg10[%dma_wait3A_50, %dma_wait3A_51] : memref<10000x128xf32, #tpu.memory_space<vmem_shared>> -> memref<10000x128xf32, #tpu.memory_space<vmem_shared>>
        tpu.wait_indirect_dma semaphore(%run_scoped3A_41 : memref<!tpu.dma_semaphore, #tpu.memory_space<semaphore_mem>>) src(%arg16 : memref<16x128xf32, #tpu.memory_space<vmem>>) dst(%dma_wait3A_52 : memref<10000x128xf32, #tpu.memory_space<vmem_shared>>)
        tpu.yield
      }) : () -> ()
      %run_scoped3A_40 = arith.constant 3 : i32
      "tpu.region"() ({
        %run_scoped3A_41 = tpu.sem_alloc : memref<!tpu.dma_semaphore, #tpu.memory_space<semaphore_mem>>
        %dma_start3A_42 = arith.constant 0 : i32
        %dma_start3A_43 = tpu.memref_slice %arg17[%run_scoped3A_40, %dma_start3A_42] : memref<4x16xi32, #tpu.memory_space<vmem>> -> memref<1x16xi32, #tpu.memory_space<vmem>>
        %dma_start3A_44 = tpu.memref_squeeze %dma_start3A_43 : memref<1x16xi32, #tpu.memory_space<vmem>> -> memref<16xi32, #tpu.memory_space<vmem>>
        %dma_start3A_45 = arith.constant 0 : i32
        %dma_start3A_46 = arith.constant 0 : i32
        %dma_start3A_47 = tpu.memref_slice %arg10[%dma_start3A_45, %dma_start3A_46] : memref<10000x128xf32, #tpu.memory_space<vmem_shared>> -> memref<10000x128xf32, #tpu.memory_space<vmem_shared>>
        tpu.enqueue_indirect_dma source(%arg16 : memref<16x128xf32, #tpu.memory_space<vmem>>) target(%dma_start3A_47 : memref<10000x128xf32, #tpu.memory_space<vmem_shared>>) offsets(%dma_start3A_44 : memref<16xi32, #tpu.memory_space<vmem>>) semaphore(%run_scoped3A_41 : memref<!tpu.dma_semaphore, #tpu.memory_space<semaphore_mem>>) {add = true}
        %dma_wait3A = arith.constant 0 : i32
        %dma_wait3A_48 = tpu.memref_slice %arg17[%run_scoped3A_40, %dma_wait3A] : memref<4x16xi32, #tpu.memory_space<vmem>> -> memref<1x16xi32, #tpu.memory_space<vmem>>
        %dma_wait3A_49 = tpu.memref_squeeze %dma_wait3A_48 : memref<1x16xi32, #tpu.memory_space<vmem>> -> memref<16xi32, #tpu.memory_space<vmem>>
        %dma_wait3A_50 = arith.constant 0 : i32
        %dma_wait3A_51 = arith.constant 0 : i32
        %dma_wait3A_52 = tpu.memref_slice %arg10[%dma_wait3A_50, %dma_wait3A_51] : memref<10000x128xf32, #tpu.memory_space<vmem_shared>> -> memref<10000x128xf32, #tpu.memory_space<vmem_shared>>
        tpu.wait_indirect_dma semaphore(%run_scoped3A_41 : memref<!tpu.dma_semaphore, #tpu.memory_space<semaphore_mem>>) src(%arg16 : memref<16x128xf32, #tpu.memory_space<vmem>>) dst(%dma_wait3A_52 : memref<10000x128xf32, #tpu.memory_space<vmem_shared>>)
        tpu.yield
      }) : () -> ()
    } else {
    }
    %barrier3A_34 = arith.constant 0 : index
    tpu.barrier barrier_id(%barrier3A_34)
    %mul3A_35 = arith.constant 625 : i32
    %mul3A_36 = arith.muli %arg1, %mul3A_35 : i32
    "tpu.region"() ({
      %run_scoped3A_37 = tpu.sem_alloc : memref<!tpu.dma_semaphore, #tpu.memory_space<semaphore_mem>>
      %dma_start3A_38 = arith.constant 0 : i32
      %dma_start3A_39 = arith.constant 0 : i32
      %dma_start3A_40 = tpu.memref_slice %arg9[%arg0, %arg1, %dma_start3A_38, %dma_start3A_39] : memref<2x16x625x128xf32, #tpu.memory_space<hbm>> -> memref<1x1x625x128xf32, #tpu.memory_space<hbm>>
      %dma_start3A_41 = tpu.memref_squeeze %dma_start3A_40 : memref<1x1x625x128xf32, #tpu.memory_space<hbm>> -> memref<625x128xf32, #tpu.memory_space<hbm>>
      %dma_start3A_42 = arith.constant 0 : i32
      %dma_start3A_43 = tpu.memref_slice %arg10[%mul3A_36, %dma_start3A_42] : memref<10000x128xf32, #tpu.memory_space<vmem_shared>> -> memref<625x128xf32, #tpu.memory_space<vmem_shared>>
      tpu.enqueue_dma source(%dma_start3A_43 : memref<625x128xf32, #tpu.memory_space<vmem_shared>>) target(%dma_start3A_41 : memref<625x128xf32, #tpu.memory_space<hbm>>) target_semaphore(%run_scoped3A_37 : memref<!tpu.dma_semaphore, #tpu.memory_space<semaphore_mem>>)
      %dma_wait3A = arith.constant 0 : i32
      %dma_wait3A_44 = arith.constant 0 : i32
      %dma_wait3A_45 = tpu.memref_slice %arg9[%arg0, %arg1, %dma_wait3A, %dma_wait3A_44] : memref<2x16x625x128xf32, #tpu.memory_space<hbm>> -> memref<1x1x625x128xf32, #tpu.memory_space<hbm>>
      %dma_wait3A_46 = tpu.memref_squeeze %dma_wait3A_45 : memref<1x1x625x128xf32, #tpu.memory_space<hbm>> -> memref<625x128xf32, #tpu.memory_space<hbm>>
      %dma_wait3A_47 = arith.constant 0 : i32
      %dma_wait3A_48 = tpu.memref_slice %arg10[%mul3A_36, %dma_wait3A_47] : memref<10000x128xf32, #tpu.memory_space<vmem_shared>> -> memref<625x128xf32, #tpu.memory_space<vmem_shared>>
      tpu.wait_dma2 semaphore(%run_scoped3A_37 : memref<!tpu.dma_semaphore, #tpu.memory_space<semaphore_mem>>) src(%dma_wait3A_48 : memref<625x128xf32, #tpu.memory_space<vmem_shared>>) dst(%dma_wait3A_46 : memref<625x128xf32, #tpu.memory_space<hbm>>)
      tpu.yield
    }) : () -> ()
    return
  }
}

#map = affine_map<(d0, d1) -> (0, 0)>
#map1 = affine_map<(d0, d1) -> (0, 0, 0, 0)>
#map2 = affine_map<(d0, d1) -> (0, 0, 0)>
module attributes {stable_mosaic.version = 14 : i64} {
  func.func @_sc_body(%arg0: i32, %arg1: i32, %arg2: memref<10000x128xf32, #tpu.memory_space<hbm>>, %arg3: memref<32x100x2x100xi32, #tpu.memory_space<hbm>>, %arg4: memref<16x4x16xi32, #tpu.memory_space<hbm>>, %arg5: memref<625x128xf32, #tpu.memory_space<hbm>>, %arg6: memref<100x128xf32, #tpu.memory_space<hbm>>, %arg7: memref<16x128xf32, #tpu.memory_space<hbm>>, %arg8: memref<2x16x625x128xf32, #tpu.memory_space<hbm>>, %arg9: memref<10000x128xf32, #tpu.memory_space<vmem_shared>>, %arg10: memref<2x100xi32, #tpu.memory_space<vmem>>, %arg11: memref<2x100xi32, #tpu.memory_space<vmem>>, %arg12: memref<100x128xf32, #tpu.memory_space<vmem>>, %arg13: memref<100x128xf32, #tpu.memory_space<vmem>>, %arg14: memref<!tpu.dma_semaphore, #tpu.memory_space<semaphore_mem>>, %arg15: memref<!tpu.dma_semaphore, #tpu.memory_space<semaphore_mem>>, %arg16: memref<!tpu.dma_semaphore, #tpu.memory_space<semaphore_mem>>, %arg17: memref<!tpu.dma_semaphore, #tpu.memory_space<semaphore_mem>>) attributes {dimension_semantics = [#tpu.dimension_semantics<core_parallel>, #tpu.dimension_semantics<subcore_parallel>], iteration_bounds = array<i64: 2, 16>, scalar_prefetch = 0 : i64, scratch_operands = 9 : i64, tpu.core_type = #tpu.core_type<sc_vector_subcore>, window_params = [{transform_indices = #map}, {transform_indices = #map1}, {transform_indices = #map2}, {transform_indices = #map}, {transform_indices = #map}, {transform_indices = #map}, {transform_indices = #map1}]} {
    %mul3A = arith.constant 16 : i32
    %mul3A_0 = arith.muli %arg0, %mul3A : i32
    %add3A = arith.addi %mul3A_0, %arg1 : i32
    %mul3A_1 = arith.constant 625 : i32
    %mul3A_2 = arith.muli %arg1, %mul3A_1 : i32
    "tpu.region"() ({
      %run_scoped3A_20 = tpu.sem_alloc : memref<!tpu.dma_semaphore, #tpu.memory_space<semaphore_mem>>
      %dma_start3A_21 = arith.constant 0 : i32
      %dma_start3A_22 = tpu.memref_slice %arg9[%mul3A_2, %dma_start3A_21] : memref<10000x128xf32, #tpu.memory_space<vmem_shared>> -> memref<625x128xf32, #tpu.memory_space<vmem_shared>>
      tpu.enqueue_dma source(%arg5 : memref<625x128xf32, #tpu.memory_space<hbm>>) target(%dma_start3A_22 : memref<625x128xf32, #tpu.memory_space<vmem_shared>>) target_semaphore(%run_scoped3A_20 : memref<!tpu.dma_semaphore, #tpu.memory_space<semaphore_mem>>)
      %dma_wait3A = arith.constant 0 : i32
      %dma_wait3A_23 = tpu.memref_slice %arg9[%mul3A_2, %dma_wait3A] : memref<10000x128xf32, #tpu.memory_space<vmem_shared>> -> memref<625x128xf32, #tpu.memory_space<vmem_shared>>
      tpu.wait_dma2 semaphore(%run_scoped3A_20 : memref<!tpu.dma_semaphore, #tpu.memory_space<semaphore_mem>>) src(%arg5 : memref<625x128xf32, #tpu.memory_space<hbm>>) dst(%dma_wait3A_23 : memref<625x128xf32, #tpu.memory_space<vmem_shared>>)
      tpu.yield
    }) : () -> ()
    %barrier3A = arith.constant 0 : index
    tpu.barrier barrier_id(%barrier3A)
    %run_scoped3A = arith.constant 0 : i32
    "tpu.region"() ({
      %run_scoped3A_20 = tpu.sem_alloc : memref<!tpu.dma_semaphore, #tpu.memory_space<semaphore_mem>>
      %dma_start3A_21 = arith.constant 0 : i32
      %dma_start3A_22 = arith.constant 0 : i32
      %dma_start3A_23 = tpu.memref_slice %arg3[%add3A, %run_scoped3A, %dma_start3A_21, %dma_start3A_22] : memref<32x100x2x100xi32, #tpu.memory_space<hbm>> -> memref<1x1x2x100xi32, #tpu.memory_space<hbm>>
      %dma_start3A_24 = tpu.memref_squeeze %dma_start3A_23 : memref<1x1x2x100xi32, #tpu.memory_space<hbm>> -> memref<2x100xi32, #tpu.memory_space<hbm>>
      %dma_start3A_25 = arith.constant 0 : i32
      %dma_start3A_26 = arith.constant 0 : i32
      %dma_start3A_27 = tpu.memref_slice %arg3[%add3A, %run_scoped3A, %dma_start3A_25, %dma_start3A_26] : memref<32x100x2x100xi32, #tpu.memory_space<hbm>> -> memref<1x1x2x100xi32, #tpu.memory_space<hbm>>
      %dma_start3A_28 = tpu.memref_squeeze %dma_start3A_27 : memref<1x1x2x100xi32, #tpu.memory_space<hbm>> -> memref<2x100xi32, #tpu.memory_space<hbm>>
      tpu.enqueue_dma source(%dma_start3A_28 : memref<2x100xi32, #tpu.memory_space<hbm>>) target(%arg10 : memref<2x100xi32, #tpu.memory_space<vmem>>) target_semaphore(%run_scoped3A_20 : memref<!tpu.dma_semaphore, #tpu.memory_space<semaphore_mem>>)
      %dma_wait3A = arith.constant 0 : i32
      %dma_wait3A_29 = arith.constant 0 : i32
      %dma_wait3A_30 = tpu.memref_slice %arg3[%add3A, %run_scoped3A, %dma_wait3A, %dma_wait3A_29] : memref<32x100x2x100xi32, #tpu.memory_space<hbm>> -> memref<1x1x2x100xi32, #tpu.memory_space<hbm>>
      %dma_wait3A_31 = tpu.memref_squeeze %dma_wait3A_30 : memref<1x1x2x100xi32, #tpu.memory_space<hbm>> -> memref<2x100xi32, #tpu.memory_space<hbm>>
      %dma_wait3A_32 = arith.constant 0 : i32
      %dma_wait3A_33 = arith.constant 0 : i32
      %dma_wait3A_34 = tpu.memref_slice %arg3[%add3A, %run_scoped3A, %dma_wait3A_32, %dma_wait3A_33] : memref<32x100x2x100xi32, #tpu.memory_space<hbm>> -> memref<1x1x2x100xi32, #tpu.memory_space<hbm>>
      %dma_wait3A_35 = tpu.memref_squeeze %dma_wait3A_34 : memref<1x1x2x100xi32, #tpu.memory_space<hbm>> -> memref<2x100xi32, #tpu.memory_space<hbm>>
      tpu.wait_dma2 semaphore(%run_scoped3A_20 : memref<!tpu.dma_semaphore, #tpu.memory_space<semaphore_mem>>) src(%dma_wait3A_35 : memref<2x100xi32, #tpu.memory_space<hbm>>) dst(%arg10 : memref<2x100xi32, #tpu.memory_space<vmem>>)
      tpu.yield
    }) : () -> ()
    %run_scoped3A_3 = arith.constant 1 : i32
    "tpu.region"() ({
      %run_scoped3A_20 = tpu.sem_alloc : memref<!tpu.dma_semaphore, #tpu.memory_space<semaphore_mem>>
      %dma_start3A_21 = arith.constant 0 : i32
      %dma_start3A_22 = arith.constant 0 : i32
      %dma_start3A_23 = tpu.memref_slice %arg3[%add3A, %run_scoped3A_3, %dma_start3A_21, %dma_start3A_22] : memref<32x100x2x100xi32, #tpu.memory_space<hbm>> -> memref<1x1x2x100xi32, #tpu.memory_space<hbm>>
      %dma_start3A_24 = tpu.memref_squeeze %dma_start3A_23 : memref<1x1x2x100xi32, #tpu.memory_space<hbm>> -> memref<2x100xi32, #tpu.memory_space<hbm>>
      %dma_start3A_25 = arith.constant 0 : i32
      %dma_start3A_26 = arith.constant 0 : i32
      %dma_start3A_27 = tpu.memref_slice %arg3[%add3A, %run_scoped3A_3, %dma_start3A_25, %dma_start3A_26] : memref<32x100x2x100xi32, #tpu.memory_space<hbm>> -> memref<1x1x2x100xi32, #tpu.memory_space<hbm>>
      %dma_start3A_28 = tpu.memref_squeeze %dma_start3A_27 : memref<1x1x2x100xi32, #tpu.memory_space<hbm>> -> memref<2x100xi32, #tpu.memory_space<hbm>>
      tpu.enqueue_dma source(%dma_start3A_28 : memref<2x100xi32, #tpu.memory_space<hbm>>) target(%arg11 : memref<2x100xi32, #tpu.memory_space<vmem>>) target_semaphore(%run_scoped3A_20 : memref<!tpu.dma_semaphore, #tpu.memory_space<semaphore_mem>>)
      %dma_wait3A = arith.constant 0 : i32
      %dma_wait3A_29 = arith.constant 0 : i32
      %dma_wait3A_30 = tpu.memref_slice %arg3[%add3A, %run_scoped3A_3, %dma_wait3A, %dma_wait3A_29] : memref<32x100x2x100xi32, #tpu.memory_space<hbm>> -> memref<1x1x2x100xi32, #tpu.memory_space<hbm>>
      %dma_wait3A_31 = tpu.memref_squeeze %dma_wait3A_30 : memref<1x1x2x100xi32, #tpu.memory_space<hbm>> -> memref<2x100xi32, #tpu.memory_space<hbm>>
      %dma_wait3A_32 = arith.constant 0 : i32
      %dma_wait3A_33 = arith.constant 0 : i32
      %dma_wait3A_34 = tpu.memref_slice %arg3[%add3A, %run_scoped3A_3, %dma_wait3A_32, %dma_wait3A_33] : memref<32x100x2x100xi32, #tpu.memory_space<hbm>> -> memref<1x1x2x100xi32, #tpu.memory_space<hbm>>
      %dma_wait3A_35 = tpu.memref_squeeze %dma_wait3A_34 : memref<1x1x2x100xi32, #tpu.memory_space<hbm>> -> memref<2x100xi32, #tpu.memory_space<hbm>>
      tpu.wait_dma2 semaphore(%run_scoped3A_20 : memref<!tpu.dma_semaphore, #tpu.memory_space<semaphore_mem>>) src(%dma_wait3A_35 : memref<2x100xi32, #tpu.memory_space<hbm>>) dst(%arg11 : memref<2x100xi32, #tpu.memory_space<vmem>>)
      tpu.yield
    }) : () -> ()
    %dma_start3A = arith.constant 0 : i32
    %dma_start3A_4 = arith.constant 0 : i32
    %dma_start3A_5 = tpu.memref_slice %arg10[%dma_start3A, %dma_start3A_4] : memref<2x100xi32, #tpu.memory_space<vmem>> -> memref<1x100xi32, #tpu.memory_space<vmem>>
    %dma_start3A_6 = tpu.memref_squeeze %dma_start3A_5 : memref<1x100xi32, #tpu.memory_space<vmem>> -> memref<100xi32, #tpu.memory_space<vmem>>
    %dma_start3A_7 = arith.constant 0 : i32
    %dma_start3A_8 = arith.constant 0 : i32
    %dma_start3A_9 = tpu.memref_slice %arg2[%dma_start3A_7, %dma_start3A_8] : memref<10000x128xf32, #tpu.memory_space<hbm>> -> memref<10000x128xf32, #tpu.memory_space<hbm>>
    tpu.enqueue_indirect_dma source(%dma_start3A_9 : memref<10000x128xf32, #tpu.memory_space<hbm>>) target(%arg12 : memref<100x128xf32, #tpu.memory_space<vmem>>) offsets(%dma_start3A_6 : memref<100xi32, #tpu.memory_space<vmem>>) semaphore(%arg14 : memref<!tpu.dma_semaphore, #tpu.memory_space<semaphore_mem>>)
    %scan3A = arith.constant 0 : i32
    %scan3A_10 = arith.constant 0 : i32
    %scan3A_11 = arith.constant 50 : i32
    %scan3A_12 = arith.addi %scan3A_10, %scan3A_11 : i32
    %scan3A_13 = arith.constant 1 : i32
    %scan3A_14 = scf.for %scan3A_20 = %scan3A_10 to %scan3A_12 step %scan3A_13 iter_args(%scan3A_21 = %scan3A) -> (i32)  : i32 {
      %mul3A_22 = arith.constant 2 : i32
      %mul3A_23 = arith.muli %mul3A_22, %scan3A_20 : i32
      %gt3A = arith.constant 0 : i32
      %gt3A_24 = arith.cmpi sgt, %scan3A_20, %gt3A : i32
      %convert_element_type3A = arith.extui %gt3A_24 : i1 to i32
      %cond3A = arith.constant 0 : i32
      %cond3A_25 = arith.cmpi ne, %convert_element_type3A, %cond3A : i32
      scf.if %cond3A_25 {
        %dma_wait3A_58 = arith.constant 0 : i32
        %dma_wait3A_59 = arith.constant 0 : i32
        %dma_wait3A_60 = arith.constant 0 : i32
        %dma_wait3A_61 = tpu.memref_slice %arg3[%add3A, %dma_wait3A_58, %dma_wait3A_59, %dma_wait3A_60] : memref<32x100x2x100xi32, #tpu.memory_space<hbm>> -> memref<1x1x2x100xi32, #tpu.memory_space<hbm>>
        %dma_wait3A_62 = tpu.memref_squeeze %dma_wait3A_61 : memref<1x1x2x100xi32, #tpu.memory_space<hbm>> -> memref<2x100xi32, #tpu.memory_space<hbm>>
        %dma_wait3A_63 = arith.constant 0 : i32
        %dma_wait3A_64 = arith.constant 0 : i32
        %dma_wait3A_65 = tpu.memref_slice %arg3[%add3A, %dma_wait3A_58, %dma_wait3A_63, %dma_wait3A_64] : memref<32x100x2x100xi32, #tpu.memory_space<hbm>> -> memref<1x1x2x100xi32, #tpu.memory_space<hbm>>
        %dma_wait3A_66 = tpu.memref_squeeze %dma_wait3A_65 : memref<1x1x2x100xi32, #tpu.memory_space<hbm>> -> memref<2x100xi32, #tpu.memory_space<hbm>>
        tpu.wait_dma2 semaphore(%arg17 : memref<!tpu.dma_semaphore, #tpu.memory_space<semaphore_mem>>) src(%dma_wait3A_66 : memref<2x100xi32, #tpu.memory_space<hbm>>) dst(%arg11 : memref<2x100xi32, #tpu.memory_space<vmem>>)
      } else {
      }
      %dma_start3A_26 = arith.constant 0 : i32
      %dma_start3A_27 = arith.constant 0 : i32
      %dma_start3A_28 = tpu.memref_slice %arg11[%dma_start3A_26, %dma_start3A_27] : memref<2x100xi32, #tpu.memory_space<vmem>> -> memref<1x100xi32, #tpu.memory_space<vmem>>
      %dma_start3A_29 = tpu.memref_squeeze %dma_start3A_28 : memref<1x100xi32, #tpu.memory_space<vmem>> -> memref<100xi32, #tpu.memory_space<vmem>>
      %dma_start3A_30 = arith.constant 0 : i32
      %dma_start3A_31 = arith.constant 0 : i32
      %dma_start3A_32 = tpu.memref_slice %arg2[%dma_start3A_30, %dma_start3A_31] : memref<10000x128xf32, #tpu.memory_space<hbm>> -> memref<10000x128xf32, #tpu.memory_space<hbm>>
      tpu.enqueue_indirect_dma source(%dma_start3A_32 : memref<10000x128xf32, #tpu.memory_space<hbm>>) target(%arg13 : memref<100x128xf32, #tpu.memory_space<vmem>>) offsets(%dma_start3A_29 : memref<100xi32, #tpu.memory_space<vmem>>) semaphore(%arg15 : memref<!tpu.dma_semaphore, #tpu.memory_space<semaphore_mem>>)
      %dma_wait3A = arith.constant 0 : i32
      %dma_wait3A_33 = arith.constant 0 : i32
      %dma_wait3A_34 = tpu.memref_slice %arg10[%dma_wait3A, %dma_wait3A_33] : memref<2x100xi32, #tpu.memory_space<vmem>> -> memref<1x100xi32, #tpu.memory_space<vmem>>
      %dma_wait3A_35 = tpu.memref_squeeze %dma_wait3A_34 : memref<1x100xi32, #tpu.memory_space<vmem>> -> memref<100xi32, #tpu.memory_space<vmem>>
      %dma_wait3A_36 = arith.constant 0 : i32
      %dma_wait3A_37 = arith.constant 0 : i32
      %dma_wait3A_38 = tpu.memref_slice %arg2[%dma_wait3A_36, %dma_wait3A_37] : memref<10000x128xf32, #tpu.memory_space<hbm>> -> memref<10000x128xf32, #tpu.memory_space<hbm>>
      tpu.wait_indirect_dma semaphore(%arg14 : memref<!tpu.dma_semaphore, #tpu.memory_space<semaphore_mem>>) src(%dma_wait3A_38 : memref<10000x128xf32, #tpu.memory_space<hbm>>) dst(%arg12 : memref<100x128xf32, #tpu.memory_space<vmem>>)
      %run_scoped3A_39 = arith.constant 1 : i32
      "tpu.region"() ({
        %run_scoped3A_58 = tpu.sem_alloc : memref<!tpu.dma_semaphore, #tpu.memory_space<semaphore_mem>>
        %dma_start3A_59 = arith.constant 0 : i32
        %dma_start3A_60 = tpu.memref_slice %arg10[%run_scoped3A_39, %dma_start3A_59] : memref<2x100xi32, #tpu.memory_space<vmem>> -> memref<1x100xi32, #tpu.memory_space<vmem>>
        %dma_start3A_61 = tpu.memref_squeeze %dma_start3A_60 : memref<1x100xi32, #tpu.memory_space<vmem>> -> memref<100xi32, #tpu.memory_space<vmem>>
        %dma_start3A_62 = arith.constant 0 : i32
        %dma_start3A_63 = arith.constant 0 : i32
        %dma_start3A_64 = tpu.memref_slice %arg9[%dma_start3A_62, %dma_start3A_63] : memref<10000x128xf32, #tpu.memory_space<vmem_shared>> -> memref<10000x128xf32, #tpu.memory_space<vmem_shared>>
        tpu.enqueue_indirect_dma source(%arg12 : memref<100x128xf32, #tpu.memory_space<vmem>>) target(%dma_start3A_64 : memref<10000x128xf32, #tpu.memory_space<vmem_shared>>) offsets(%dma_start3A_61 : memref<100xi32, #tpu.memory_space<vmem>>) semaphore(%run_scoped3A_58 : memref<!tpu.dma_semaphore, #tpu.memory_space<semaphore_mem>>) {add = true}
        %dma_wait3A_65 = arith.constant 0 : i32
        %dma_wait3A_66 = tpu.memref_slice %arg10[%run_scoped3A_39, %dma_wait3A_65] : memref<2x100xi32, #tpu.memory_space<vmem>> -> memref<1x100xi32, #tpu.memory_space<vmem>>
        %dma_wait3A_67 = tpu.memref_squeeze %dma_wait3A_66 : memref<1x100xi32, #tpu.memory_space<vmem>> -> memref<100xi32, #tpu.memory_space<vmem>>
        %dma_wait3A_68 = arith.constant 0 : i32
        %dma_wait3A_69 = arith.constant 0 : i32
        %dma_wait3A_70 = tpu.memref_slice %arg9[%dma_wait3A_68, %dma_wait3A_69] : memref<10000x128xf32, #tpu.memory_space<vmem_shared>> -> memref<10000x128xf32, #tpu.memory_space<vmem_shared>>
        tpu.wait_indirect_dma semaphore(%run_scoped3A_58 : memref<!tpu.dma_semaphore, #tpu.memory_space<semaphore_mem>>) src(%arg12 : memref<100x128xf32, #tpu.memory_space<vmem>>) dst(%dma_wait3A_70 : memref<10000x128xf32, #tpu.memory_space<vmem_shared>>)
        tpu.yield
      }) : () -> ()
      %lt3A = arith.constant 49 : i32
      %lt3A_40 = arith.cmpi slt, %scan3A_20, %lt3A : i32
      %convert_element_type3A_41 = arith.extui %lt3A_40 : i1 to i32
      %cond3A_42 = arith.constant 0 : i32
      %cond3A_43 = arith.cmpi ne, %convert_element_type3A_41, %cond3A_42 : i32
      scf.if %cond3A_43 {
        %add3A_58 = arith.constant 2 : i32
        %add3A_59 = arith.addi %mul3A_23, %add3A_58 : i32
        %dma_start3A_60 = arith.constant 0 : i32
        %dma_start3A_61 = arith.constant 0 : i32
        %dma_start3A_62 = tpu.memref_slice %arg3[%add3A, %add3A_59, %dma_start3A_60, %dma_start3A_61] : memref<32x100x2x100xi32, #tpu.memory_space<hbm>> -> memref<1x1x2x100xi32, #tpu.memory_space<hbm>>
        %dma_start3A_63 = tpu.memref_squeeze %dma_start3A_62 : memref<1x1x2x100xi32, #tpu.memory_space<hbm>> -> memref<2x100xi32, #tpu.memory_space<hbm>>
        %dma_start3A_64 = arith.constant 0 : i32
        %dma_start3A_65 = arith.constant 0 : i32
        %dma_start3A_66 = tpu.memref_slice %arg3[%add3A, %add3A_59, %dma_start3A_64, %dma_start3A_65] : memref<32x100x2x100xi32, #tpu.memory_space<hbm>> -> memref<1x1x2x100xi32, #tpu.memory_space<hbm>>
        %dma_start3A_67 = tpu.memref_squeeze %dma_start3A_66 : memref<1x1x2x100xi32, #tpu.memory_space<hbm>> -> memref<2x100xi32, #tpu.memory_space<hbm>>
        tpu.enqueue_dma source(%dma_start3A_67 : memref<2x100xi32, #tpu.memory_space<hbm>>) target(%arg10 : memref<2x100xi32, #tpu.memory_space<vmem>>) target_semaphore(%arg16 : memref<!tpu.dma_semaphore, #tpu.memory_space<semaphore_mem>>)
      } else {
      }
      %dma_wait3A_44 = arith.constant 0 : i32
      %dma_wait3A_45 = arith.constant 0 : i32
      %dma_wait3A_46 = tpu.memref_slice %arg11[%dma_wait3A_44, %dma_wait3A_45] : memref<2x100xi32, #tpu.memory_space<vmem>> -> memref<1x100xi32, #tpu.memory_space<vmem>>
      %dma_wait3A_47 = tpu.memref_squeeze %dma_wait3A_46 : memref<1x100xi32, #tpu.memory_space<vmem>> -> memref<100xi32, #tpu.memory_space<vmem>>
      %dma_wait3A_48 = arith.constant 0 : i32
      %dma_wait3A_49 = arith.constant 0 : i32
      %dma_wait3A_50 = tpu.memref_slice %arg2[%dma_wait3A_48, %dma_wait3A_49] : memref<10000x128xf32, #tpu.memory_space<hbm>> -> memref<10000x128xf32, #tpu.memory_space<hbm>>
      tpu.wait_indirect_dma semaphore(%arg15 : memref<!tpu.dma_semaphore, #tpu.memory_space<semaphore_mem>>) src(%dma_wait3A_50 : memref<10000x128xf32, #tpu.memory_space<hbm>>) dst(%arg13 : memref<100x128xf32, #tpu.memory_space<vmem>>)
      %run_scoped3A_51 = arith.constant 1 : i32
      "tpu.region"() ({
        %run_scoped3A_58 = tpu.sem_alloc : memref<!tpu.dma_semaphore, #tpu.memory_space<semaphore_mem>>
        %dma_start3A_59 = arith.constant 0 : i32
        %dma_start3A_60 = tpu.memref_slice %arg11[%run_scoped3A_51, %dma_start3A_59] : memref<2x100xi32, #tpu.memory_space<vmem>> -> memref<1x100xi32, #tpu.memory_space<vmem>>
        %dma_start3A_61 = tpu.memref_squeeze %dma_start3A_60 : memref<1x100xi32, #tpu.memory_space<vmem>> -> memref<100xi32, #tpu.memory_space<vmem>>
        %dma_start3A_62 = arith.constant 0 : i32
        %dma_start3A_63 = arith.constant 0 : i32
        %dma_start3A_64 = tpu.memref_slice %arg9[%dma_start3A_62, %dma_start3A_63] : memref<10000x128xf32, #tpu.memory_space<vmem_shared>> -> memref<10000x128xf32, #tpu.memory_space<vmem_shared>>
        tpu.enqueue_indirect_dma source(%arg13 : memref<100x128xf32, #tpu.memory_space<vmem>>) target(%dma_start3A_64 : memref<10000x128xf32, #tpu.memory_space<vmem_shared>>) offsets(%dma_start3A_61 : memref<100xi32, #tpu.memory_space<vmem>>) semaphore(%run_scoped3A_58 : memref<!tpu.dma_semaphore, #tpu.memory_space<semaphore_mem>>) {add = true}
        %dma_wait3A_65 = arith.constant 0 : i32
        %dma_wait3A_66 = tpu.memref_slice %arg11[%run_scoped3A_51, %dma_wait3A_65] : memref<2x100xi32, #tpu.memory_space<vmem>> -> memref<1x100xi32, #tpu.memory_space<vmem>>
        %dma_wait3A_67 = tpu.memref_squeeze %dma_wait3A_66 : memref<1x100xi32, #tpu.memory_space<vmem>> -> memref<100xi32, #tpu.memory_space<vmem>>
        %dma_wait3A_68 = arith.constant 0 : i32
        %dma_wait3A_69 = arith.constant 0 : i32
        %dma_wait3A_70 = tpu.memref_slice %arg9[%dma_wait3A_68, %dma_wait3A_69] : memref<10000x128xf32, #tpu.memory_space<vmem_shared>> -> memref<10000x128xf32, #tpu.memory_space<vmem_shared>>
        tpu.wait_indirect_dma semaphore(%run_scoped3A_58 : memref<!tpu.dma_semaphore, #tpu.memory_space<semaphore_mem>>) src(%arg13 : memref<100x128xf32, #tpu.memory_space<vmem>>) dst(%dma_wait3A_70 : memref<10000x128xf32, #tpu.memory_space<vmem_shared>>)
        tpu.yield
      }) : () -> ()
      %lt3A_52 = arith.constant 49 : i32
      %lt3A_53 = arith.cmpi slt, %scan3A_20, %lt3A_52 : i32
      %convert_element_type3A_54 = arith.extui %lt3A_53 : i1 to i32
      %cond3A_55 = arith.constant 0 : i32
      %cond3A_56 = arith.cmpi ne, %convert_element_type3A_54, %cond3A_55 : i32
      scf.if %cond3A_56 {
        %add3A_58 = arith.constant 3 : i32
        %add3A_59 = arith.addi %mul3A_23, %add3A_58 : i32
        %dma_start3A_60 = arith.constant 0 : i32
        %dma_start3A_61 = arith.constant 0 : i32
        %dma_start3A_62 = tpu.memref_slice %arg3[%add3A, %add3A_59, %dma_start3A_60, %dma_start3A_61] : memref<32x100x2x100xi32, #tpu.memory_space<hbm>> -> memref<1x1x2x100xi32, #tpu.memory_space<hbm>>
        %dma_start3A_63 = tpu.memref_squeeze %dma_start3A_62 : memref<1x1x2x100xi32, #tpu.memory_space<hbm>> -> memref<2x100xi32, #tpu.memory_space<hbm>>
        %dma_start3A_64 = arith.constant 0 : i32
        %dma_start3A_65 = arith.constant 0 : i32
        %dma_start3A_66 = tpu.memref_slice %arg3[%add3A, %add3A_59, %dma_start3A_64, %dma_start3A_65] : memref<32x100x2x100xi32, #tpu.memory_space<hbm>> -> memref<1x1x2x100xi32, #tpu.memory_space<hbm>>
        %dma_start3A_67 = tpu.memref_squeeze %dma_start3A_66 : memref<1x1x2x100xi32, #tpu.memory_space<hbm>> -> memref<2x100xi32, #tpu.memory_space<hbm>>
        tpu.enqueue_dma source(%dma_start3A_67 : memref<2x100xi32, #tpu.memory_space<hbm>>) target(%arg11 : memref<2x100xi32, #tpu.memory_space<vmem>>) target_semaphore(%arg17 : memref<!tpu.dma_semaphore, #tpu.memory_space<semaphore_mem>>)
        %dma_wait3A_68 = arith.constant 0 : i32
        %dma_wait3A_69 = arith.constant 0 : i32
        %dma_wait3A_70 = arith.constant 0 : i32
        %dma_wait3A_71 = tpu.memref_slice %arg3[%add3A, %dma_wait3A_68, %dma_wait3A_69, %dma_wait3A_70] : memref<32x100x2x100xi32, #tpu.memory_space<hbm>> -> memref<1x1x2x100xi32, #tpu.memory_space<hbm>>
        %dma_wait3A_72 = tpu.memref_squeeze %dma_wait3A_71 : memref<1x1x2x100xi32, #tpu.memory_space<hbm>> -> memref<2x100xi32, #tpu.memory_space<hbm>>
        %dma_wait3A_73 = arith.constant 0 : i32
        %dma_wait3A_74 = arith.constant 0 : i32
        %dma_wait3A_75 = tpu.memref_slice %arg3[%add3A, %dma_wait3A_68, %dma_wait3A_73, %dma_wait3A_74] : memref<32x100x2x100xi32, #tpu.memory_space<hbm>> -> memref<1x1x2x100xi32, #tpu.memory_space<hbm>>
        %dma_wait3A_76 = tpu.memref_squeeze %dma_wait3A_75 : memref<1x1x2x100xi32, #tpu.memory_space<hbm>> -> memref<2x100xi32, #tpu.memory_space<hbm>>
        tpu.wait_dma2 semaphore(%arg16 : memref<!tpu.dma_semaphore, #tpu.memory_space<semaphore_mem>>) src(%dma_wait3A_76 : memref<2x100xi32, #tpu.memory_space<hbm>>) dst(%arg10 : memref<2x100xi32, #tpu.memory_space<vmem>>)
        %dma_start3A_77 = arith.constant 0 : i32
        %dma_start3A_78 = arith.constant 0 : i32
        %dma_start3A_79 = tpu.memref_slice %arg10[%dma_start3A_77, %dma_start3A_78] : memref<2x100xi32, #tpu.memory_space<vmem>> -> memref<1x100xi32, #tpu.memory_space<vmem>>
        %dma_start3A_80 = tpu.memref_squeeze %dma_start3A_79 : memref<1x100xi32, #tpu.memory_space<vmem>> -> memref<100xi32, #tpu.memory_space<vmem>>
        %dma_start3A_81 = arith.constant 0 : i32
        %dma_start3A_82 = arith.constant 0 : i32
        %dma_start3A_83 = tpu.memref_slice %arg2[%dma_start3A_81, %dma_start3A_82] : memref<10000x128xf32, #tpu.memory_space<hbm>> -> memref<10000x128xf32, #tpu.memory_space<hbm>>
        tpu.enqueue_indirect_dma source(%dma_start3A_83 : memref<10000x128xf32, #tpu.memory_space<hbm>>) target(%arg12 : memref<100x128xf32, #tpu.memory_space<vmem>>) offsets(%dma_start3A_80 : memref<100xi32, #tpu.memory_space<vmem>>) semaphore(%arg14 : memref<!tpu.dma_semaphore, #tpu.memory_space<semaphore_mem>>)
      } else {
      }
      %scan3A_57 = arith.constant 0 : i32
      scf.yield %scan3A_57 : i32
    }
    %scan3A_15 = arith.constant 50 : i32
    %barrier3A_16 = arith.constant 0 : index
    tpu.barrier barrier_id(%barrier3A_16)
    %mul3A_17 = arith.constant 625 : i32
    %mul3A_18 = arith.muli %arg1, %mul3A_17 : i32
    "tpu.region"() ({
      %run_scoped3A_20 = tpu.sem_alloc : memref<!tpu.dma_semaphore, #tpu.memory_space<semaphore_mem>>
      %dma_start3A_21 = arith.constant 0 : i32
      %dma_start3A_22 = arith.constant 0 : i32
      %dma_start3A_23 = tpu.memref_slice %arg8[%arg0, %arg1, %dma_start3A_21, %dma_start3A_22] : memref<2x16x625x128xf32, #tpu.memory_space<hbm>> -> memref<1x1x625x128xf32, #tpu.memory_space<hbm>>
      %dma_start3A_24 = tpu.memref_squeeze %dma_start3A_23 : memref<1x1x625x128xf32, #tpu.memory_space<hbm>> -> memref<625x128xf32, #tpu.memory_space<hbm>>
      %dma_start3A_25 = arith.constant 0 : i32
      %dma_start3A_26 = tpu.memref_slice %arg9[%mul3A_18, %dma_start3A_25] : memref<10000x128xf32, #tpu.memory_space<vmem_shared>> -> memref<625x128xf32, #tpu.memory_space<vmem_shared>>
      tpu.enqueue_dma source(%dma_start3A_26 : memref<625x128xf32, #tpu.memory_space<vmem_shared>>) target(%dma_start3A_24 : memref<625x128xf32, #tpu.memory_space<hbm>>) target_semaphore(%run_scoped3A_20 : memref<!tpu.dma_semaphore, #tpu.memory_space<semaphore_mem>>)
      %dma_wait3A = arith.constant 0 : i32
      %dma_wait3A_27 = arith.constant 0 : i32
      %dma_wait3A_28 = tpu.memref_slice %arg8[%arg0, %arg1, %dma_wait3A, %dma_wait3A_27] : memref<2x16x625x128xf32, #tpu.memory_space<hbm>> -> memref<1x1x625x128xf32, #tpu.memory_space<hbm>>
      %dma_wait3A_29 = tpu.memref_squeeze %dma_wait3A_28 : memref<1x1x625x128xf32, #tpu.memory_space<hbm>> -> memref<625x128xf32, #tpu.memory_space<hbm>>
      %dma_wait3A_30 = arith.constant 0 : i32
      %dma_wait3A_31 = tpu.memref_slice %arg9[%mul3A_18, %dma_wait3A_30] : memref<10000x128xf32, #tpu.memory_space<vmem_shared>> -> memref<625x128xf32, #tpu.memory_space<vmem_shared>>
      tpu.wait_dma2 semaphore(%run_scoped3A_20 : memref<!tpu.dma_semaphore, #tpu.memory_space<semaphore_mem>>) src(%dma_wait3A_31 : memref<625x128xf32, #tpu.memory_space<vmem_shared>>) dst(%dma_wait3A_29 : memref<625x128xf32, #tpu.memory_space<hbm>>)
      tpu.yield
    }) : () -> ()
    %barrier3A_19 = arith.constant 0 : index
    tpu.barrier barrier_id(%barrier3A_19)
    return
  }
}

module attributes {stable_mosaic.version = 14 : i64} {
  func.func @_mm_body(%arg0: i32, %arg1: memref<1000x128xf32, #tpu.memory_space<vmem>>, %arg2: memref<128x128xf32, #tpu.memory_space<vmem>>, %arg3: memref<1000x128xf32, #tpu.memory_space<vmem>>) attributes {dimension_semantics = [#tpu.dimension_semantics<arbitrary>], iteration_bounds = array<i64: 10>, scalar_prefetch = 0 : i64, scratch_operands = 0 : i64, tpu.core_type = #tpu.core_type<tc>, window_params = [{transform_indices = @transform_0, window_bounds = array<i64: 1000, 128>}, {pipeline_mode = #tpu.pipeline_mode<synchronous>, transform_indices = @transform_1, window_bounds = array<i64: 128, 128>}, {transform_indices = @transform_2, window_bounds = array<i64: 1000, 128>}]} {
    %get3A = arith.constant 0 : index
    %get3A_0 = arith.constant 0 : index
    %get3A_1 = vector.load %arg1[%get3A, %get3A_0] : memref<1000x128xf32, #tpu.memory_space<vmem>>, vector<1000x128xf32>
    %get3A_2 = arith.constant 0 : index
    %get3A_3 = arith.constant 0 : index
    %get3A_4 = vector.load %arg2[%get3A_2, %get3A_3] : memref<128x128xf32, #tpu.memory_space<vmem>>, vector<128x128xf32>
    %dot_general3A = arith.constant dense<0.000000e+00> : vector<1000x128xf32>
    %dot_general3A_5 = tpu.matmul %get3A_1, %get3A_4, %dot_general3A {dimension_numbers = #tpu.dot_dimension_numbers<[1], [0], [0], [1], [0, 0, 1, 1], [], []>, transpose_lhs_hint = false} : vector<1000x128xf32>, vector<128x128xf32>, vector<1000x128xf32> -> vector<1000x128xf32>
    %swap3A = arith.constant 0 : index
    %swap3A_6 = arith.constant 0 : index
    %swap3A_7 = vector.load %arg3[%swap3A, %swap3A_6] : memref<1000x128xf32, #tpu.memory_space<vmem>>, vector<1000x128xf32>
    tpu.vector_store %arg3[%swap3A, %swap3A_6], %dot_general3A_5 {strides = array<i32>} : memref<1000x128xf32, #tpu.memory_space<vmem>>, vector<1000x128xf32>,
    return
  }
  func.func @transform_0(%arg0: i32) -> (i32, i32) {
    %c0_i32 = arith.constant 0 : i32
    %c0_i32_0 = arith.constant 0 : i32
    return %arg0, %c0_i32 : i32, i32
  }
  func.func @transform_1(%arg0: i32) -> (i32, i32) {
    %c0_i32 = arith.constant 0 : i32
    %c0_i32_0 = arith.constant 0 : i32
    %c0_i32_1 = arith.constant 0 : i32
    return %c0_i32, %c0_i32_0 : i32, i32
  }
  func.func @transform_2(%arg0: i32) -> (i32, i32) {
    %c0_i32 = arith.constant 0 : i32
    %c0_i32_0 = arith.constant 0 : i32
    return %arg0, %c0_i32 : i32, i32
  }
}

module attributes {stable_mosaic.version = 14 : i64} {
  func.func @_film_body(%arg0: i32, %arg1: memref<2x1000x128xf32, #tpu.memory_space<vmem>>, %arg2: memref<2x1000x128xf32, #tpu.memory_space<vmem>>, %arg3: memref<1000x128xf32, #tpu.memory_space<vmem>>, %arg4: memref<1000x1xf32, #tpu.memory_space<vmem>>, %arg5: memref<64x128xf32, #tpu.memory_space<vmem>>, %arg6: memref<64x128xf32, #tpu.memory_space<vmem>>, %arg7: memref<128x128xf32, #tpu.memory_space<vmem>>, %arg8: memref<1x128xf32, #tpu.memory_space<vmem>>, %arg9: memref<1000x128xf32, #tpu.memory_space<vmem>>, %arg10: memref<1000x128xf32, #tpu.memory_space<vmem>>, %arg11: memref<1x1xf32, #tpu.memory_space<vmem>>, %arg12: memref<1x1xf32, #tpu.memory_space<vmem>>, %arg13: memref<1x128xf32, #tpu.memory_space<vmem>>, %arg14: memref<1x128xf32, #tpu.memory_space<vmem>>) attributes {dimension_semantics = [#tpu.dimension_semantics<arbitrary>], iteration_bounds = array<i64: 10>, scalar_prefetch = 0 : i64, scratch_operands = 2 : i64, tpu.core_type = #tpu.core_type<tc>, window_params = [{transform_indices = @transform_0, window_bounds = array<i64: 2, 1000, 128>}, {transform_indices = @transform_1, window_bounds = array<i64: 2, 1000, 128>}, {transform_indices = @transform_2, window_bounds = array<i64: 1000, 128>}, {transform_indices = @transform_3, window_bounds = array<i64: 1000, 1>}, {pipeline_mode = #tpu.pipeline_mode<synchronous>, transform_indices = @transform_4, window_bounds = array<i64: 64, 128>}, {pipeline_mode = #tpu.pipeline_mode<synchronous>, transform_indices = @transform_5, window_bounds = array<i64: 64, 128>}, {pipeline_mode = #tpu.pipeline_mode<synchronous>, transform_indices = @transform_6, window_bounds = array<i64: 128, 128>}, {pipeline_mode = #tpu.pipeline_mode<synchronous>, transform_indices = @transform_7, window_bounds = array<i64: 1, 128>}, {transform_indices = @transform_8, window_bounds = array<i64: 1000, 128>}, {transform_indices = @transform_9, window_bounds = array<i64: 1000, 128>}, {pipeline_mode = #tpu.pipeline_mode<synchronous>, transform_indices = @transform_10, window_bounds = array<i64: 1, 1>}, {pipeline_mode = #tpu.pipeline_mode<synchronous>, transform_indices = @transform_11, window_bounds = array<i64: 1, 1>}]} {
    %eq3A = arith.constant 0 : i32
    %eq3A_0 = arith.cmpi eq, %arg0, %eq3A : i32
    %convert_element_type3A = arith.extui %eq3A_0 : i1 to i32
    %cond3A = arith.constant 0 : i32
    %cond3A_1 = arith.cmpi ne, %convert_element_type3A, %cond3A : i32
    scf.if %cond3A_1 {
      %broadcast_in_dim3A_100 = arith.constant 0.000000e+00 : f32
      %broadcast_in_dim3A_101 = vector.broadcast %broadcast_in_dim3A_100 : f32 to vector<1x128xf32>
      %swap3A_102 = arith.constant 0 : index
      %swap3A_103 = arith.constant 0 : index
      %swap3A_104 = vector.load %arg13[%swap3A_102, %swap3A_103] : memref<1x128xf32, #tpu.memory_space<vmem>>, vector<1x128xf32>
      tpu.vector_store %arg13[%swap3A_102, %swap3A_103], %broadcast_in_dim3A_101 {strides = array<i32>} : memref<1x128xf32, #tpu.memory_space<vmem>>, vector<1x128xf32>,
      %broadcast_in_dim3A_105 = arith.constant 0.000000e+00 : f32
      %broadcast_in_dim3A_106 = vector.broadcast %broadcast_in_dim3A_105 : f32 to vector<1x128xf32>
      %swap3A_107 = arith.constant 0 : index
      %swap3A_108 = arith.constant 0 : index
      %swap3A_109 = vector.load %arg14[%swap3A_107, %swap3A_108] : memref<1x128xf32, #tpu.memory_space<vmem>>, vector<1x128xf32>
      tpu.vector_store %arg14[%swap3A_107, %swap3A_108], %broadcast_in_dim3A_106 {strides = array<i32>} : memref<1x128xf32, #tpu.memory_space<vmem>>, vector<1x128xf32>,
    } else {
    }
    %get3A = arith.constant 0 : index
    %get3A_2 = arith.constant 0 : index
    %get3A_3 = arith.constant 0 : index
    %get3A_4 = vector.load %arg2[%get3A, %get3A_2, %get3A_3] : memref<2x1000x128xf32, #tpu.memory_space<vmem>>, vector<1x1000x1xf32>
    %get3A_5 = vector.shape_cast %get3A_4 : vector<1x1000x1xf32> to vector<1000x1xf32>
    %get3A_6 = arith.constant 1 : index
    %get3A_7 = arith.constant 0 : index
    %get3A_8 = arith.constant 0 : index
    %get3A_9 = vector.load %arg2[%get3A_6, %get3A_7, %get3A_8] : memref<2x1000x128xf32, #tpu.memory_space<vmem>>, vector<1x1000x1xf32>
    %get3A_10 = vector.shape_cast %get3A_9 : vector<1x1000x1xf32> to vector<1000x1xf32>
    %add3A = arith.addf %get3A_5, %get3A_10 : vector<1000x1xf32>
    %get3A_11 = arith.constant 0 : index
    %get3A_12 = arith.constant 0 : index
    %get3A_13 = arith.constant 1 : index
    %get3A_14 = vector.load %arg2[%get3A_11, %get3A_12, %get3A_13] : memref<2x1000x128xf32, #tpu.memory_space<vmem>>, vector<1x1000x1xf32>
    %get3A_15 = vector.shape_cast %get3A_14 : vector<1x1000x1xf32> to vector<1000x1xf32>
    %get3A_16 = arith.constant 0 : index
    %get3A_17 = arith.constant 0 : index
    %get3A_18 = arith.constant 0 : index
    %get3A_19 = vector.load %arg1[%get3A_16, %get3A_17, %get3A_18] : memref<2x1000x128xf32, #tpu.memory_space<vmem>>, vector<1x1000x128xf32>
    %get3A_20 = vector.shape_cast %get3A_19 : vector<1x1000x128xf32> to vector<1000x128xf32>
    %get3A_21 = arith.constant 1 : index
    %get3A_22 = arith.constant 0 : index
    %get3A_23 = arith.constant 0 : index
    %get3A_24 = vector.load %arg1[%get3A_21, %get3A_22, %get3A_23] : memref<2x1000x128xf32, #tpu.memory_space<vmem>>, vector<1x1000x128xf32>
    %get3A_25 = vector.shape_cast %get3A_24 : vector<1x1000x128xf32> to vector<1000x128xf32>
    %add3A_26 = arith.addf %get3A_20, %get3A_25 : vector<1000x128xf32>
    %max3A = arith.constant 1.000000e+00 : f32
    %max3A_27 = vector.broadcast %max3A : f32 to vector<1000x1xf32>
    %max3A_28 = arith.maximumf %add3A, %max3A_27 : vector<1000x1xf32>
    %div3A = vector.broadcast %max3A_28 : vector<1000x1xf32> to vector<1000x128xf32>
    %div3A_29 = arith.divf %add3A_26, %div3A : vector<1000x128xf32>
    %iota3A = tpu.iota {dimensions = array<i32: 1>} : vector<1000x64xi32>
    %get3A_30 = arith.constant 0 : index
    %get3A_31 = arith.constant 0 : index
    %get3A_32 = vector.load %arg4[%get3A_30, %get3A_31] : memref<1000x1xf32, #tpu.memory_space<vmem>>, vector<1000x1xf32>
    %convert_element_type3A_33 = arith.sitofp %iota3A : vector<1000x64xi32> to vector<1000x64xf32>
    %eq3A_34 = vector.broadcast %get3A_32 : vector<1000x1xf32> to vector<1000x64xf32>
    %eq3A_35 = arith.cmpf oeq, %eq3A_34, %convert_element_type3A_33 : vector<1000x64xf32>
    %convert_element_type3A_36 = arith.extui %eq3A_35 : vector<1000x64xi1> to vector<1000x64xi32>
    %convert_element_type3A_37 = arith.sitofp %convert_element_type3A_36 : vector<1000x64xi32> to vector<1000x64xf32>
    %get3A_38 = arith.constant 0 : index
    %get3A_39 = arith.constant 0 : index
    %get3A_40 = vector.load %arg5[%get3A_38, %get3A_39] : memref<64x128xf32, #tpu.memory_space<vmem>>, vector<64x128xf32>
    %dot_general3A = arith.constant dense<0.000000e+00> : vector<1000x128xf32>
    %dot_general3A_41 = tpu.matmul %convert_element_type3A_37, %get3A_40, %dot_general3A {dimension_numbers = #tpu.dot_dimension_numbers<[1], [0], [0], [1], [0, 0, 1, 1], [], []>, transpose_lhs_hint = false} : vector<1000x64xf32>, vector<64x128xf32>, vector<1000x128xf32> -> vector<1000x128xf32>
    %get3A_42 = arith.constant 0 : index
    %get3A_43 = arith.constant 0 : index
    %get3A_44 = vector.load %arg6[%get3A_42, %get3A_43] : memref<64x128xf32, #tpu.memory_space<vmem>>, vector<64x128xf32>
    %dot_general3A_45 = arith.constant dense<0.000000e+00> : vector<1000x128xf32>
    %dot_general3A_46 = tpu.matmul %convert_element_type3A_37, %get3A_44, %dot_general3A_45 {dimension_numbers = #tpu.dot_dimension_numbers<[1], [0], [0], [1], [0, 0, 1, 1], [], []>, transpose_lhs_hint = false} : vector<1000x64xf32>, vector<64x128xf32>, vector<1000x128xf32> -> vector<1000x128xf32>
    %mul3A = arith.mulf %dot_general3A_41, %div3A_29 : vector<1000x128xf32>
    %add3A_47 = arith.addf %mul3A, %dot_general3A_46 : vector<1000x128xf32>
    %get3A_48 = arith.constant 0 : index
    %get3A_49 = arith.constant 0 : index
    %get3A_50 = vector.load %arg3[%get3A_48, %get3A_49] : memref<1000x128xf32, #tpu.memory_space<vmem>>, vector<1000x128xf32>
    %add3A_51 = arith.addf %add3A_47, %get3A_50 : vector<1000x128xf32>
    %get3A_52 = arith.constant 0 : index
    %get3A_53 = arith.constant 0 : index
    %get3A_54 = vector.load %arg13[%get3A_52, %get3A_53] : memref<1x128xf32, #tpu.memory_space<vmem>>, vector<1x128xf32>
    %mul3A_55 = vector.broadcast %get3A_15 : vector<1000x1xf32> to vector<1000x128xf32>
    %mul3A_56 = arith.mulf %mul3A_55, %add3A_51 : vector<1000x128xf32>
    %reduce_sum3A = arith.constant dense<0.000000e+00> : vector<128xf32>
    %reduce_sum3A_57 = vector.multi_reduction <add>, %mul3A_56, %reduce_sum3A [0] : vector<1000x128xf32> to vector<128xf32>
    %broadcast_in_dim3A = vector.shape_cast %reduce_sum3A_57 : vector<128xf32> to vector<1x128xf32>
    %add3A_58 = arith.addf %get3A_54, %broadcast_in_dim3A : vector<1x128xf32>
    %swap3A = arith.constant 0 : index
    %swap3A_59 = arith.constant 0 : index
    %swap3A_60 = vector.load %arg13[%swap3A, %swap3A_59] : memref<1x128xf32, #tpu.memory_space<vmem>>, vector<1x128xf32>
    tpu.vector_store %arg13[%swap3A, %swap3A_59], %add3A_58 {strides = array<i32>} : memref<1x128xf32, #tpu.memory_space<vmem>>, vector<1x128xf32>,
    %get3A_61 = arith.constant 0 : index
    %get3A_62 = arith.constant 0 : index
    %get3A_63 = vector.load %arg14[%get3A_61, %get3A_62] : memref<1x128xf32, #tpu.memory_space<vmem>>, vector<1x128xf32>
    %mul3A_64 = vector.broadcast %get3A_15 : vector<1000x1xf32> to vector<1000x128xf32>
    %mul3A_65 = arith.mulf %mul3A_64, %add3A_51 : vector<1000x128xf32>
    %mul3A_66 = arith.mulf %mul3A_65, %add3A_51 : vector<1000x128xf32>
    %reduce_sum3A_67 = arith.constant dense<0.000000e+00> : vector<128xf32>
    %reduce_sum3A_68 = vector.multi_reduction <add>, %mul3A_66, %reduce_sum3A_67 [0] : vector<1000x128xf32> to vector<128xf32>
    %broadcast_in_dim3A_69 = vector.shape_cast %reduce_sum3A_68 : vector<128xf32> to vector<1x128xf32>
    %add3A_70 = arith.addf %get3A_63, %broadcast_in_dim3A_69 : vector<1x128xf32>
    %swap3A_71 = arith.constant 0 : index
    %swap3A_72 = arith.constant 0 : index
    %swap3A_73 = vector.load %arg14[%swap3A_71, %swap3A_72] : memref<1x128xf32, #tpu.memory_space<vmem>>, vector<1x128xf32>
    tpu.vector_store %arg14[%swap3A_71, %swap3A_72], %add3A_70 {strides = array<i32>} : memref<1x128xf32, #tpu.memory_space<vmem>>, vector<1x128xf32>,
    %gt3A = arith.constant 0.000000e+00 : f32
    %gt3A_74 = vector.broadcast %gt3A : f32 to vector<1000x128xf32>
    %gt3A_75 = arith.cmpf ogt, %add3A_51, %gt3A_74 : vector<1000x128xf32>
    %mul3A_76 = arith.constant 0.00999999977 : f32
    %mul3A_77 = vector.broadcast %mul3A_76 : f32 to vector<1000x128xf32>
    %mul3A_78 = arith.mulf %mul3A_77, %add3A_51 : vector<1000x128xf32>
    %select_n3A = arith.select %gt3A_75, %add3A_51, %mul3A_78 : vector<1000x128xi1>, vector<1000x128xf32>
    %swap3A_79 = arith.constant 0 : index
    %swap3A_80 = arith.constant 0 : index
    %swap3A_81 = vector.load %arg9[%swap3A_79, %swap3A_80] : memref<1000x128xf32, #tpu.memory_space<vmem>>, vector<1000x128xf32>
    tpu.vector_store %arg9[%swap3A_79, %swap3A_80], %select_n3A {strides = array<i32>} : memref<1000x128xf32, #tpu.memory_space<vmem>>, vector<1000x128xf32>,
    %get3A_82 = arith.constant 0 : index
    %get3A_83 = arith.constant 0 : index
    %get3A_84 = vector.load %arg7[%get3A_82, %get3A_83] : memref<128x128xf32, #tpu.memory_space<vmem>>, vector<128x128xf32>
    %dot_general3A_85 = arith.constant dense<0.000000e+00> : vector<1000x128xf32>
    %dot_general3A_86 = tpu.matmul %select_n3A, %get3A_84, %dot_general3A_85 {dimension_numbers = #tpu.dot_dimension_numbers<[1], [0], [0], [1], [0, 0, 1, 1], [], []>, transpose_lhs_hint = false} : vector<1000x128xf32>, vector<128x128xf32>, vector<1000x128xf32> -> vector<1000x128xf32>
    %get3A_87 = arith.constant 0 : index
    %get3A_88 = arith.constant 0 : index
    %get3A_89 = vector.load %arg8[%get3A_87, %get3A_88] : memref<1x128xf32, #tpu.memory_space<vmem>>, vector<1x128xf32>
    %add3A_90 = vector.broadcast %get3A_89 : vector<1x128xf32> to vector<1000x128xf32>
    %add3A_91 = arith.addf %dot_general3A_86, %add3A_90 : vector<1000x128xf32>
    %swap3A_92 = arith.constant 0 : index
    %swap3A_93 = arith.constant 0 : index
    %swap3A_94 = vector.load %arg10[%swap3A_92, %swap3A_93] : memref<1000x128xf32, #tpu.memory_space<vmem>>, vector<1000x128xf32>
    tpu.vector_store %arg10[%swap3A_92, %swap3A_93], %add3A_91 {strides = array<i32>} : memref<1000x128xf32, #tpu.memory_space<vmem>>, vector<1000x128xf32>,
    %eq3A_95 = arith.constant 9 : i32
    %eq3A_96 = arith.cmpi eq, %arg0, %eq3A_95 : i32
    %convert_element_type3A_97 = arith.extui %eq3A_96 : i1 to i32
    %cond3A_98 = arith.constant 0 : i32
    %cond3A_99 = arith.cmpi ne, %convert_element_type3A_97, %cond3A_98 : i32
    scf.if %cond3A_99 {
      %get3A_100 = arith.constant 0 : index
      %get3A_101 = arith.constant 0 : index
      %get3A_102 = vector.load %arg13[%get3A_100, %get3A_101] : memref<1x128xf32, #tpu.memory_space<vmem>>, vector<1x128xf32>
      %get3A_103 = arith.constant 0 : index
      %get3A_104 = arith.constant 0 : index
      %get3A_105 = vector.load %arg14[%get3A_103, %get3A_104] : memref<1x128xf32, #tpu.memory_space<vmem>>, vector<1x128xf32>
      %reduce_sum3A_106 = vector.shape_cast %get3A_105 : vector<1x128xf32> to vector<1x1x128xf32>
      %reduce_sum3A_107 = arith.constant dense<0.000000e+00> : vector<1xf32>
      %reduce_sum3A_108 = vector.multi_reduction <add>, %reduce_sum3A_106, %reduce_sum3A_107 [1, 2] : vector<1x1x128xf32> to vector<1xf32>
      %reduce_sum3A_109 = vector.shape_cast %reduce_sum3A_108 : vector<1xf32> to vector<1x1x1xf32>
      %reduce_sum3A_110 = vector.extract %reduce_sum3A_109[0, 0, 0] : f32 from vector<1x1x1xf32>
      %mul3A_111 = arith.mulf %get3A_102, %get3A_102 : vector<1x128xf32>
      %reduce_sum3A_112 = vector.shape_cast %mul3A_111 : vector<1x128xf32> to vector<1x1x128xf32>
      %reduce_sum3A_113 = arith.constant dense<0.000000e+00> : vector<1xf32>
      %reduce_sum3A_114 = vector.multi_reduction <add>, %reduce_sum3A_112, %reduce_sum3A_113 [1, 2] : vector<1x1x128xf32> to vector<1xf32>
      %reduce_sum3A_115 = vector.shape_cast %reduce_sum3A_114 : vector<1xf32> to vector<1x1x1xf32>
      %reduce_sum3A_116 = vector.extract %reduce_sum3A_115[0, 0, 0] : f32 from vector<1x1x1xf32>
      %div3A_117 = arith.constant 1.024000e+03 : f32
      %div3A_118 = arith.divf %reduce_sum3A_116, %div3A_117 : f32
      %sub3A = arith.subf %reduce_sum3A_110, %div3A_118 : f32
      %div3A_119 = arith.constant 1.310720e+05 : f32
      %div3A_120 = arith.divf %sub3A, %div3A_119 : f32
      %get3A_121 = arith.constant 0 : index
      %get3A_122 = arith.constant 0 : index
      %get3A_123 = vector.load %arg5[%get3A_121, %get3A_122] : memref<64x128xf32, #tpu.memory_space<vmem>>, vector<64x128xf32>
      %get3A_124 = arith.constant 0 : index
      %get3A_125 = arith.constant 0 : index
      %get3A_126 = vector.load %arg5[%get3A_124, %get3A_125] : memref<64x128xf32, #tpu.memory_space<vmem>>, vector<64x128xf32>
      %mul3A_127 = arith.mulf %get3A_123, %get3A_126 : vector<64x128xf32>
      %reduce_sum3A_128 = vector.shape_cast %mul3A_127 : vector<64x128xf32> to vector<1x64x128xf32>
      %reduce_sum3A_129 = arith.constant dense<0.000000e+00> : vector<1xf32>
      %reduce_sum3A_130 = vector.multi_reduction <add>, %reduce_sum3A_128, %reduce_sum3A_129 [1, 2] : vector<1x64x128xf32> to vector<1xf32>
      %reduce_sum3A_131 = vector.shape_cast %reduce_sum3A_130 : vector<1xf32> to vector<1x1x1xf32>
      %reduce_sum3A_132 = vector.extract %reduce_sum3A_131[0, 0, 0] : f32 from vector<1x1x1xf32>
      %get3A_133 = arith.constant 0 : index
      %get3A_134 = arith.constant 0 : index
      %get3A_135 = vector.load %arg6[%get3A_133, %get3A_134] : memref<64x128xf32, #tpu.memory_space<vmem>>, vector<64x128xf32>
      %get3A_136 = arith.constant 0 : index
      %get3A_137 = arith.constant 0 : index
      %get3A_138 = vector.load %arg6[%get3A_136, %get3A_137] : memref<64x128xf32, #tpu.memory_space<vmem>>, vector<64x128xf32>
      %mul3A_139 = arith.mulf %get3A_135, %get3A_138 : vector<64x128xf32>
      %reduce_sum3A_140 = vector.shape_cast %mul3A_139 : vector<64x128xf32> to vector<1x64x128xf32>
      %reduce_sum3A_141 = arith.constant dense<0.000000e+00> : vector<1xf32>
      %reduce_sum3A_142 = vector.multi_reduction <add>, %reduce_sum3A_140, %reduce_sum3A_141 [1, 2] : vector<1x64x128xf32> to vector<1xf32>
      %reduce_sum3A_143 = vector.shape_cast %reduce_sum3A_142 : vector<1xf32> to vector<1x1x1xf32>
      %reduce_sum3A_144 = vector.extract %reduce_sum3A_143[0, 0, 0] : f32 from vector<1x1x1xf32>
      %add3A_145 = arith.addf %reduce_sum3A_132, %reduce_sum3A_144 : f32
      %div3A_146 = arith.constant 8.192000e+03 : f32
      %div3A_147 = arith.divf %add3A_145, %div3A_146 : f32
      %reshape3A = vector.broadcast %div3A_120 : f32 to vector<1x1xf32>
      %swap3A_148 = arith.constant 0 : index
      %swap3A_149 = arith.constant 0 : index
      %swap3A_150 = vector.load %arg11[%swap3A_148, %swap3A_149] : memref<1x1xf32, #tpu.memory_space<vmem>>, vector<1x1xf32>
      tpu.vector_store %arg11[%swap3A_148, %swap3A_149], %reshape3A {strides = array<i32>} : memref<1x1xf32, #tpu.memory_space<vmem>>, vector<1x1xf32>,
      %reshape3A_151 = vector.broadcast %div3A_147 : f32 to vector<1x1xf32>
      %swap3A_152 = arith.constant 0 : index
      %swap3A_153 = arith.constant 0 : index
      %swap3A_154 = vector.load %arg12[%swap3A_152, %swap3A_153] : memref<1x1xf32, #tpu.memory_space<vmem>>, vector<1x1xf32>
      tpu.vector_store %arg12[%swap3A_152, %swap3A_153], %reshape3A_151 {strides = array<i32>} : memref<1x1xf32, #tpu.memory_space<vmem>>, vector<1x1xf32>,
    } else {
    }
    return
  }
  func.func @transform_0(%arg0: i32) -> (i32, i32, i32) {
    %c0_i32 = arith.constant 0 : i32
    %c0_i32_0 = arith.constant 0 : i32
    %c0_i32_1 = arith.constant 0 : i32
    return %c0_i32, %arg0, %c0_i32_0 : i32, i32, i32
  }
  func.func @transform_1(%arg0: i32) -> (i32, i32, i32) {
    %c0_i32 = arith.constant 0 : i32
    %c0_i32_0 = arith.constant 0 : i32
    %c0_i32_1 = arith.constant 0 : i32
    return %c0_i32, %arg0, %c0_i32_0 : i32, i32, i32
  }
  func.func @transform_2(%arg0: i32) -> (i32, i32) {
    %c0_i32 = arith.constant 0 : i32
    %c0_i32_0 = arith.constant 0 : i32
    return %arg0, %c0_i32 : i32, i32
  }
  func.func @transform_3(%arg0: i32) -> (i32, i32) {
    %c0_i32 = arith.constant 0 : i32
    %c0_i32_0 = arith.constant 0 : i32
    return %arg0, %c0_i32 : i32, i32
  }
  func.func @transform_4(%arg0: i32) -> (i32, i32) {
    %c0_i32 = arith.constant 0 : i32
    %c0_i32_0 = arith.constant 0 : i32
    %c0_i32_1 = arith.constant 0 : i32
    return %c0_i32, %c0_i32_0 : i32, i32
  }
  func.func @transform_5(%arg0: i32) -> (i32, i32) {
    %c0_i32 = arith.constant 0 : i32
    %c0_i32_0 = arith.constant 0 : i32
    %c0_i32_1 = arith.constant 0 : i32
    return %c0_i32, %c0_i32_0 : i32, i32
  }
  func.func @transform_6(%arg0: i32) -> (i32, i32) {
    %c0_i32 = arith.constant 0 : i32
    %c0_i32_0 = arith.constant 0 : i32
    %c0_i32_1 = arith.constant 0 : i32
    return %c0_i32, %c0_i32_0 : i32, i32
  }
  func.func @transform_7(%arg0: i32) -> (i32, i32) {
    %c0_i32 = arith.constant 0 : i32
    %c0_i32_0 = arith.constant 0 : i32
    %c0_i32_1 = arith.constant 0 : i32
    return %c0_i32, %c0_i32_0 : i32, i32
  }
  func.func @transform_8(%arg0: i32) -> (i32, i32) {
    %c0_i32 = arith.constant 0 : i32
    %c0_i32_0 = arith.constant 0 : i32
    return %arg0, %c0_i32 : i32, i32
  }
  func.func @transform_9(%arg0: i32) -> (i32, i32) {
    %c0_i32 = arith.constant 0 : i32
    %c0_i32_0 = arith.constant 0 : i32
    return %arg0, %c0_i32 : i32, i32
  }
  func.func @transform_10(%arg0: i32) -> (i32, i32) {
    %c0_i32 = arith.constant 0 : i32
    %c0_i32_0 = arith.constant 0 : i32
    %c0_i32_1 = arith.constant 0 : i32
    return %c0_i32, %c0_i32_0 : i32, i32
  }
  func.func @transform_11(%arg0: i32) -> (i32, i32) {
    %c0_i32 = arith.constant 0 : i32
    %c0_i32_0 = arith.constant 0 : i32
    %c0_i32_1 = arith.constant 0 : i32
    return %c0_i32, %c0_i32_0 : i32, i32
  }
}

module attributes {stable_mosaic.version = 14 : i64} {
  func.func @_film_body(%arg0: i32, %arg1: memref<2x1000x128xf32, #tpu.memory_space<vmem>>, %arg2: memref<2x1000x128xf32, #tpu.memory_space<vmem>>, %arg3: memref<1000x128xf32, #tpu.memory_space<vmem>>, %arg4: memref<1000x1xf32, #tpu.memory_space<vmem>>, %arg5: memref<64x128xf32, #tpu.memory_space<vmem>>, %arg6: memref<64x128xf32, #tpu.memory_space<vmem>>, %arg7: memref<128x128xf32, #tpu.memory_space<vmem>>, %arg8: memref<1x128xf32, #tpu.memory_space<vmem>>, %arg9: memref<1000x128xf32, #tpu.memory_space<vmem>>, %arg10: memref<1000x128xf32, #tpu.memory_space<vmem>>, %arg11: memref<1x1xf32, #tpu.memory_space<vmem>>, %arg12: memref<1x1xf32, #tpu.memory_space<vmem>>, %arg13: memref<1x128xf32, #tpu.memory_space<vmem>>, %arg14: memref<1x128xf32, #tpu.memory_space<vmem>>) attributes {dimension_semantics = [#tpu.dimension_semantics<arbitrary>], iteration_bounds = array<i64: 10>, scalar_prefetch = 0 : i64, scratch_operands = 2 : i64, tpu.core_type = #tpu.core_type<tc>, window_params = [{transform_indices = @transform_0, window_bounds = array<i64: 2, 1000, 128>}, {transform_indices = @transform_1, window_bounds = array<i64: 2, 1000, 128>}, {transform_indices = @transform_2, window_bounds = array<i64: 1000, 128>}, {transform_indices = @transform_3, window_bounds = array<i64: 1000, 1>}, {pipeline_mode = #tpu.pipeline_mode<synchronous>, transform_indices = @transform_4, window_bounds = array<i64: 64, 128>}, {pipeline_mode = #tpu.pipeline_mode<synchronous>, transform_indices = @transform_5, window_bounds = array<i64: 64, 128>}, {pipeline_mode = #tpu.pipeline_mode<synchronous>, transform_indices = @transform_6, window_bounds = array<i64: 128, 128>}, {pipeline_mode = #tpu.pipeline_mode<synchronous>, transform_indices = @transform_7, window_bounds = array<i64: 1, 128>}, {transform_indices = @transform_8, window_bounds = array<i64: 1000, 128>}, {transform_indices = @transform_9, window_bounds = array<i64: 1000, 128>}, {pipeline_mode = #tpu.pipeline_mode<synchronous>, transform_indices = @transform_10, window_bounds = array<i64: 1, 1>}, {pipeline_mode = #tpu.pipeline_mode<synchronous>, transform_indices = @transform_11, window_bounds = array<i64: 1, 1>}]} {
    %eq3A = arith.constant 0 : i32
    %eq3A_0 = arith.cmpi eq, %arg0, %eq3A : i32
    %convert_element_type3A = arith.extui %eq3A_0 : i1 to i32
    %cond3A = arith.constant 0 : i32
    %cond3A_1 = arith.cmpi ne, %convert_element_type3A, %cond3A : i32
    scf.if %cond3A_1 {
      %broadcast_in_dim3A_100 = arith.constant 0.000000e+00 : f32
      %broadcast_in_dim3A_101 = vector.broadcast %broadcast_in_dim3A_100 : f32 to vector<1x128xf32>
      %swap3A_102 = arith.constant 0 : index
      %swap3A_103 = arith.constant 0 : index
      %swap3A_104 = vector.load %arg13[%swap3A_102, %swap3A_103] : memref<1x128xf32, #tpu.memory_space<vmem>>, vector<1x128xf32>
      tpu.vector_store %arg13[%swap3A_102, %swap3A_103], %broadcast_in_dim3A_101 {strides = array<i32>} : memref<1x128xf32, #tpu.memory_space<vmem>>, vector<1x128xf32>,
      %broadcast_in_dim3A_105 = arith.constant 0.000000e+00 : f32
      %broadcast_in_dim3A_106 = vector.broadcast %broadcast_in_dim3A_105 : f32 to vector<1x128xf32>
      %swap3A_107 = arith.constant 0 : index
      %swap3A_108 = arith.constant 0 : index
      %swap3A_109 = vector.load %arg14[%swap3A_107, %swap3A_108] : memref<1x128xf32, #tpu.memory_space<vmem>>, vector<1x128xf32>
      tpu.vector_store %arg14[%swap3A_107, %swap3A_108], %broadcast_in_dim3A_106 {strides = array<i32>} : memref<1x128xf32, #tpu.memory_space<vmem>>, vector<1x128xf32>,
    } else {
    }
    %get3A = arith.constant 0 : index
    %get3A_2 = arith.constant 0 : index
    %get3A_3 = arith.constant 0 : index
    %get3A_4 = vector.load %arg2[%get3A, %get3A_2, %get3A_3] : memref<2x1000x128xf32, #tpu.memory_space<vmem>>, vector<1x1000x1xf32>
    %get3A_5 = vector.shape_cast %get3A_4 : vector<1x1000x1xf32> to vector<1000x1xf32>
    %get3A_6 = arith.constant 1 : index
    %get3A_7 = arith.constant 0 : index
    %get3A_8 = arith.constant 0 : index
    %get3A_9 = vector.load %arg2[%get3A_6, %get3A_7, %get3A_8] : memref<2x1000x128xf32, #tpu.memory_space<vmem>>, vector<1x1000x1xf32>
    %get3A_10 = vector.shape_cast %get3A_9 : vector<1x1000x1xf32> to vector<1000x1xf32>
    %add3A = arith.addf %get3A_5, %get3A_10 : vector<1000x1xf32>
    %get3A_11 = arith.constant 0 : index
    %get3A_12 = arith.constant 0 : index
    %get3A_13 = arith.constant 1 : index
    %get3A_14 = vector.load %arg2[%get3A_11, %get3A_12, %get3A_13] : memref<2x1000x128xf32, #tpu.memory_space<vmem>>, vector<1x1000x1xf32>
    %get3A_15 = vector.shape_cast %get3A_14 : vector<1x1000x1xf32> to vector<1000x1xf32>
    %get3A_16 = arith.constant 0 : index
    %get3A_17 = arith.constant 0 : index
    %get3A_18 = arith.constant 0 : index
    %get3A_19 = vector.load %arg1[%get3A_16, %get3A_17, %get3A_18] : memref<2x1000x128xf32, #tpu.memory_space<vmem>>, vector<1x1000x128xf32>
    %get3A_20 = vector.shape_cast %get3A_19 : vector<1x1000x128xf32> to vector<1000x128xf32>
    %get3A_21 = arith.constant 1 : index
    %get3A_22 = arith.constant 0 : index
    %get3A_23 = arith.constant 0 : index
    %get3A_24 = vector.load %arg1[%get3A_21, %get3A_22, %get3A_23] : memref<2x1000x128xf32, #tpu.memory_space<vmem>>, vector<1x1000x128xf32>
    %get3A_25 = vector.shape_cast %get3A_24 : vector<1x1000x128xf32> to vector<1000x128xf32>
    %add3A_26 = arith.addf %get3A_20, %get3A_25 : vector<1000x128xf32>
    %max3A = arith.constant 1.000000e+00 : f32
    %max3A_27 = vector.broadcast %max3A : f32 to vector<1000x1xf32>
    %max3A_28 = arith.maximumf %add3A, %max3A_27 : vector<1000x1xf32>
    %div3A = vector.broadcast %max3A_28 : vector<1000x1xf32> to vector<1000x128xf32>
    %div3A_29 = arith.divf %add3A_26, %div3A : vector<1000x128xf32>
    %iota3A = tpu.iota {dimensions = array<i32: 1>} : vector<1000x64xi32>
    %get3A_30 = arith.constant 0 : index
    %get3A_31 = arith.constant 0 : index
    %get3A_32 = vector.load %arg4[%get3A_30, %get3A_31] : memref<1000x1xf32, #tpu.memory_space<vmem>>, vector<1000x1xf32>
    %convert_element_type3A_33 = arith.sitofp %iota3A : vector<1000x64xi32> to vector<1000x64xf32>
    %eq3A_34 = vector.broadcast %get3A_32 : vector<1000x1xf32> to vector<1000x64xf32>
    %eq3A_35 = arith.cmpf oeq, %eq3A_34, %convert_element_type3A_33 : vector<1000x64xf32>
    %convert_element_type3A_36 = arith.extui %eq3A_35 : vector<1000x64xi1> to vector<1000x64xi32>
    %convert_element_type3A_37 = arith.sitofp %convert_element_type3A_36 : vector<1000x64xi32> to vector<1000x64xf32>
    %get3A_38 = arith.constant 0 : index
    %get3A_39 = arith.constant 0 : index
    %get3A_40 = vector.load %arg5[%get3A_38, %get3A_39] : memref<64x128xf32, #tpu.memory_space<vmem>>, vector<64x128xf32>
    %dot_general3A = arith.constant dense<0.000000e+00> : vector<1000x128xf32>
    %dot_general3A_41 = tpu.matmul %convert_element_type3A_37, %get3A_40, %dot_general3A {dimension_numbers = #tpu.dot_dimension_numbers<[1], [0], [0], [1], [0, 0, 1, 1], [], []>, transpose_lhs_hint = false} : vector<1000x64xf32>, vector<64x128xf32>, vector<1000x128xf32> -> vector<1000x128xf32>
    %get3A_42 = arith.constant 0 : index
    %get3A_43 = arith.constant 0 : index
    %get3A_44 = vector.load %arg6[%get3A_42, %get3A_43] : memref<64x128xf32, #tpu.memory_space<vmem>>, vector<64x128xf32>
    %dot_general3A_45 = arith.constant dense<0.000000e+00> : vector<1000x128xf32>
    %dot_general3A_46 = tpu.matmul %convert_element_type3A_37, %get3A_44, %dot_general3A_45 {dimension_numbers = #tpu.dot_dimension_numbers<[1], [0], [0], [1], [0, 0, 1, 1], [], []>, transpose_lhs_hint = false} : vector<1000x64xf32>, vector<64x128xf32>, vector<1000x128xf32> -> vector<1000x128xf32>
    %mul3A = arith.mulf %dot_general3A_41, %div3A_29 : vector<1000x128xf32>
    %add3A_47 = arith.addf %mul3A, %dot_general3A_46 : vector<1000x128xf32>
    %get3A_48 = arith.constant 0 : index
    %get3A_49 = arith.constant 0 : index
    %get3A_50 = vector.load %arg3[%get3A_48, %get3A_49] : memref<1000x128xf32, #tpu.memory_space<vmem>>, vector<1000x128xf32>
    %add3A_51 = arith.addf %add3A_47, %get3A_50 : vector<1000x128xf32>
    %get3A_52 = arith.constant 0 : index
    %get3A_53 = arith.constant 0 : index
    %get3A_54 = vector.load %arg13[%get3A_52, %get3A_53] : memref<1x128xf32, #tpu.memory_space<vmem>>, vector<1x128xf32>
    %mul3A_55 = vector.broadcast %get3A_15 : vector<1000x1xf32> to vector<1000x128xf32>
    %mul3A_56 = arith.mulf %mul3A_55, %add3A_51 : vector<1000x128xf32>
    %reduce_sum3A = arith.constant dense<0.000000e+00> : vector<128xf32>
    %reduce_sum3A_57 = vector.multi_reduction <add>, %mul3A_56, %reduce_sum3A [0] : vector<1000x128xf32> to vector<128xf32>
    %broadcast_in_dim3A = vector.shape_cast %reduce_sum3A_57 : vector<128xf32> to vector<1x128xf32>
    %add3A_58 = arith.addf %get3A_54, %broadcast_in_dim3A : vector<1x128xf32>
    %swap3A = arith.constant 0 : index
    %swap3A_59 = arith.constant 0 : index
    %swap3A_60 = vector.load %arg13[%swap3A, %swap3A_59] : memref<1x128xf32, #tpu.memory_space<vmem>>, vector<1x128xf32>
    tpu.vector_store %arg13[%swap3A, %swap3A_59], %add3A_58 {strides = array<i32>} : memref<1x128xf32, #tpu.memory_space<vmem>>, vector<1x128xf32>,
    %get3A_61 = arith.constant 0 : index
    %get3A_62 = arith.constant 0 : index
    %get3A_63 = vector.load %arg14[%get3A_61, %get3A_62] : memref<1x128xf32, #tpu.memory_space<vmem>>, vector<1x128xf32>
    %mul3A_64 = vector.broadcast %get3A_15 : vector<1000x1xf32> to vector<1000x128xf32>
    %mul3A_65 = arith.mulf %mul3A_64, %add3A_51 : vector<1000x128xf32>
    %mul3A_66 = arith.mulf %mul3A_65, %add3A_51 : vector<1000x128xf32>
    %reduce_sum3A_67 = arith.constant dense<0.000000e+00> : vector<128xf32>
    %reduce_sum3A_68 = vector.multi_reduction <add>, %mul3A_66, %reduce_sum3A_67 [0] : vector<1000x128xf32> to vector<128xf32>
    %broadcast_in_dim3A_69 = vector.shape_cast %reduce_sum3A_68 : vector<128xf32> to vector<1x128xf32>
    %add3A_70 = arith.addf %get3A_63, %broadcast_in_dim3A_69 : vector<1x128xf32>
    %swap3A_71 = arith.constant 0 : index
    %swap3A_72 = arith.constant 0 : index
    %swap3A_73 = vector.load %arg14[%swap3A_71, %swap3A_72] : memref<1x128xf32, #tpu.memory_space<vmem>>, vector<1x128xf32>
    tpu.vector_store %arg14[%swap3A_71, %swap3A_72], %add3A_70 {strides = array<i32>} : memref<1x128xf32, #tpu.memory_space<vmem>>, vector<1x128xf32>,
    %gt3A = arith.constant 0.000000e+00 : f32
    %gt3A_74 = vector.broadcast %gt3A : f32 to vector<1000x128xf32>
    %gt3A_75 = arith.cmpf ogt, %add3A_51, %gt3A_74 : vector<1000x128xf32>
    %mul3A_76 = arith.constant 0.00999999977 : f32
    %mul3A_77 = vector.broadcast %mul3A_76 : f32 to vector<1000x128xf32>
    %mul3A_78 = arith.mulf %mul3A_77, %add3A_51 : vector<1000x128xf32>
    %select_n3A = arith.select %gt3A_75, %add3A_51, %mul3A_78 : vector<1000x128xi1>, vector<1000x128xf32>
    %swap3A_79 = arith.constant 0 : index
    %swap3A_80 = arith.constant 0 : index
    %swap3A_81 = vector.load %arg9[%swap3A_79, %swap3A_80] : memref<1000x128xf32, #tpu.memory_space<vmem>>, vector<1000x128xf32>
    tpu.vector_store %arg9[%swap3A_79, %swap3A_80], %select_n3A {strides = array<i32>} : memref<1000x128xf32, #tpu.memory_space<vmem>>, vector<1000x128xf32>,
    %get3A_82 = arith.constant 0 : index
    %get3A_83 = arith.constant 0 : index
    %get3A_84 = vector.load %arg7[%get3A_82, %get3A_83] : memref<128x128xf32, #tpu.memory_space<vmem>>, vector<128x128xf32>
    %dot_general3A_85 = arith.constant dense<0.000000e+00> : vector<1000x128xf32>
    %dot_general3A_86 = tpu.matmul %select_n3A, %get3A_84, %dot_general3A_85 {dimension_numbers = #tpu.dot_dimension_numbers<[1], [0], [0], [1], [0, 0, 1, 1], [], []>, transpose_lhs_hint = false} : vector<1000x128xf32>, vector<128x128xf32>, vector<1000x128xf32> -> vector<1000x128xf32>
    %get3A_87 = arith.constant 0 : index
    %get3A_88 = arith.constant 0 : index
    %get3A_89 = vector.load %arg8[%get3A_87, %get3A_88] : memref<1x128xf32, #tpu.memory_space<vmem>>, vector<1x128xf32>
    %add3A_90 = vector.broadcast %get3A_89 : vector<1x128xf32> to vector<1000x128xf32>
    %add3A_91 = arith.addf %dot_general3A_86, %add3A_90 : vector<1000x128xf32>
    %swap3A_92 = arith.constant 0 : index
    %swap3A_93 = arith.constant 0 : index
    %swap3A_94 = vector.load %arg10[%swap3A_92, %swap3A_93] : memref<1000x128xf32, #tpu.memory_space<vmem>>, vector<1000x128xf32>
    tpu.vector_store %arg10[%swap3A_92, %swap3A_93], %add3A_91 {strides = array<i32>} : memref<1000x128xf32, #tpu.memory_space<vmem>>, vector<1000x128xf32>,
    %eq3A_95 = arith.constant 9 : i32
    %eq3A_96 = arith.cmpi eq, %arg0, %eq3A_95 : i32
    %convert_element_type3A_97 = arith.extui %eq3A_96 : i1 to i32
    %cond3A_98 = arith.constant 0 : i32
    %cond3A_99 = arith.cmpi ne, %convert_element_type3A_97, %cond3A_98 : i32
    scf.if %cond3A_99 {
      %get3A_100 = arith.constant 0 : index
      %get3A_101 = arith.constant 0 : index
      %get3A_102 = vector.load %arg13[%get3A_100, %get3A_101] : memref<1x128xf32, #tpu.memory_space<vmem>>, vector<1x128xf32>
      %get3A_103 = arith.constant 0 : index
      %get3A_104 = arith.constant 0 : index
      %get3A_105 = vector.load %arg14[%get3A_103, %get3A_104] : memref<1x128xf32, #tpu.memory_space<vmem>>, vector<1x128xf32>
      %reduce_sum3A_106 = vector.shape_cast %get3A_105 : vector<1x128xf32> to vector<1x1x128xf32>
      %reduce_sum3A_107 = arith.constant dense<0.000000e+00> : vector<1xf32>
      %reduce_sum3A_108 = vector.multi_reduction <add>, %reduce_sum3A_106, %reduce_sum3A_107 [1, 2] : vector<1x1x128xf32> to vector<1xf32>
      %reduce_sum3A_109 = vector.shape_cast %reduce_sum3A_108 : vector<1xf32> to vector<1x1x1xf32>
      %reduce_sum3A_110 = vector.extract %reduce_sum3A_109[0, 0, 0] : f32 from vector<1x1x1xf32>
      %mul3A_111 = arith.mulf %get3A_102, %get3A_102 : vector<1x128xf32>
      %reduce_sum3A_112 = vector.shape_cast %mul3A_111 : vector<1x128xf32> to vector<1x1x128xf32>
      %reduce_sum3A_113 = arith.constant dense<0.000000e+00> : vector<1xf32>
      %reduce_sum3A_114 = vector.multi_reduction <add>, %reduce_sum3A_112, %reduce_sum3A_113 [1, 2] : vector<1x1x128xf32> to vector<1xf32>
      %reduce_sum3A_115 = vector.shape_cast %reduce_sum3A_114 : vector<1xf32> to vector<1x1x1xf32>
      %reduce_sum3A_116 = vector.extract %reduce_sum3A_115[0, 0, 0] : f32 from vector<1x1x1xf32>
      %div3A_117 = arith.constant 1.024000e+03 : f32
      %div3A_118 = arith.divf %reduce_sum3A_116, %div3A_117 : f32
      %sub3A = arith.subf %reduce_sum3A_110, %div3A_118 : f32
      %div3A_119 = arith.constant 1.310720e+05 : f32
      %div3A_120 = arith.divf %sub3A, %div3A_119 : f32
      %get3A_121 = arith.constant 0 : index
      %get3A_122 = arith.constant 0 : index
      %get3A_123 = vector.load %arg5[%get3A_121, %get3A_122] : memref<64x128xf32, #tpu.memory_space<vmem>>, vector<64x128xf32>
      %get3A_124 = arith.constant 0 : index
      %get3A_125 = arith.constant 0 : index
      %get3A_126 = vector.load %arg5[%get3A_124, %get3A_125] : memref<64x128xf32, #tpu.memory_space<vmem>>, vector<64x128xf32>
      %mul3A_127 = arith.mulf %get3A_123, %get3A_126 : vector<64x128xf32>
      %reduce_sum3A_128 = vector.shape_cast %mul3A_127 : vector<64x128xf32> to vector<1x64x128xf32>
      %reduce_sum3A_129 = arith.constant dense<0.000000e+00> : vector<1xf32>
      %reduce_sum3A_130 = vector.multi_reduction <add>, %reduce_sum3A_128, %reduce_sum3A_129 [1, 2] : vector<1x64x128xf32> to vector<1xf32>
      %reduce_sum3A_131 = vector.shape_cast %reduce_sum3A_130 : vector<1xf32> to vector<1x1x1xf32>
      %reduce_sum3A_132 = vector.extract %reduce_sum3A_131[0, 0, 0] : f32 from vector<1x1x1xf32>
      %get3A_133 = arith.constant 0 : index
      %get3A_134 = arith.constant 0 : index
      %get3A_135 = vector.load %arg6[%get3A_133, %get3A_134] : memref<64x128xf32, #tpu.memory_space<vmem>>, vector<64x128xf32>
      %get3A_136 = arith.constant 0 : index
      %get3A_137 = arith.constant 0 : index
      %get3A_138 = vector.load %arg6[%get3A_136, %get3A_137] : memref<64x128xf32, #tpu.memory_space<vmem>>, vector<64x128xf32>
      %mul3A_139 = arith.mulf %get3A_135, %get3A_138 : vector<64x128xf32>
      %reduce_sum3A_140 = vector.shape_cast %mul3A_139 : vector<64x128xf32> to vector<1x64x128xf32>
      %reduce_sum3A_141 = arith.constant dense<0.000000e+00> : vector<1xf32>
      %reduce_sum3A_142 = vector.multi_reduction <add>, %reduce_sum3A_140, %reduce_sum3A_141 [1, 2] : vector<1x64x128xf32> to vector<1xf32>
      %reduce_sum3A_143 = vector.shape_cast %reduce_sum3A_142 : vector<1xf32> to vector<1x1x1xf32>
      %reduce_sum3A_144 = vector.extract %reduce_sum3A_143[0, 0, 0] : f32 from vector<1x1x1xf32>
      %add3A_145 = arith.addf %reduce_sum3A_132, %reduce_sum3A_144 : f32
      %div3A_146 = arith.constant 8.192000e+03 : f32
      %div3A_147 = arith.divf %add3A_145, %div3A_146 : f32
      %reshape3A = vector.broadcast %div3A_120 : f32 to vector<1x1xf32>
      %swap3A_148 = arith.constant 0 : index
      %swap3A_149 = arith.constant 0 : index
      %swap3A_150 = vector.load %arg11[%swap3A_148, %swap3A_149] : memref<1x1xf32, #tpu.memory_space<vmem>>, vector<1x1xf32>
      tpu.vector_store %arg11[%swap3A_148, %swap3A_149], %reshape3A {strides = array<i32>} : memref<1x1xf32, #tpu.memory_space<vmem>>, vector<1x1xf32>,
      %reshape3A_151 = vector.broadcast %div3A_147 : f32 to vector<1x1xf32>
      %swap3A_152 = arith.constant 0 : index
      %swap3A_153 = arith.constant 0 : index
      %swap3A_154 = vector.load %arg12[%swap3A_152, %swap3A_153] : memref<1x1xf32, #tpu.memory_space<vmem>>, vector<1x1xf32>
      tpu.vector_store %arg12[%swap3A_152, %swap3A_153], %reshape3A_151 {strides = array<i32>} : memref<1x1xf32, #tpu.memory_space<vmem>>, vector<1x1xf32>,
    } else {
    }
    return
  }
  func.func @transform_0(%arg0: i32) -> (i32, i32, i32) {
    %c0_i32 = arith.constant 0 : i32
    %c0_i32_0 = arith.constant 0 : i32
    %c0_i32_1 = arith.constant 0 : i32
    return %c0_i32, %arg0, %c0_i32_0 : i32, i32, i32
  }
  func.func @transform_1(%arg0: i32) -> (i32, i32, i32) {
    %c0_i32 = arith.constant 0 : i32
    %c0_i32_0 = arith.constant 0 : i32
    %c0_i32_1 = arith.constant 0 : i32
    return %c0_i32, %arg0, %c0_i32_0 : i32, i32, i32
  }
  func.func @transform_2(%arg0: i32) -> (i32, i32) {
    %c0_i32 = arith.constant 0 : i32
    %c0_i32_0 = arith.constant 0 : i32
    return %arg0, %c0_i32 : i32, i32
  }
  func.func @transform_3(%arg0: i32) -> (i32, i32) {
    %c0_i32 = arith.constant 0 : i32
    %c0_i32_0 = arith.constant 0 : i32
    return %arg0, %c0_i32 : i32, i32
  }
  func.func @transform_4(%arg0: i32) -> (i32, i32) {
    %c0_i32 = arith.constant 0 : i32
    %c0_i32_0 = arith.constant 0 : i32
    %c0_i32_1 = arith.constant 0 : i32
    return %c0_i32, %c0_i32_0 : i32, i32
  }
  func.func @transform_5(%arg0: i32) -> (i32, i32) {
    %c0_i32 = arith.constant 0 : i32
    %c0_i32_0 = arith.constant 0 : i32
    %c0_i32_1 = arith.constant 0 : i32
    return %c0_i32, %c0_i32_0 : i32, i32
  }
  func.func @transform_6(%arg0: i32) -> (i32, i32) {
    %c0_i32 = arith.constant 0 : i32
    %c0_i32_0 = arith.constant 0 : i32
    %c0_i32_1 = arith.constant 0 : i32
    return %c0_i32, %c0_i32_0 : i32, i32
  }
  func.func @transform_7(%arg0: i32) -> (i32, i32) {
    %c0_i32 = arith.constant 0 : i32
    %c0_i32_0 = arith.constant 0 : i32
    %c0_i32_1 = arith.constant 0 : i32
    return %c0_i32, %c0_i32_0 : i32, i32
  }
  func.func @transform_8(%arg0: i32) -> (i32, i32) {
    %c0_i32 = arith.constant 0 : i32
    %c0_i32_0 = arith.constant 0 : i32
    return %arg0, %c0_i32 : i32, i32
  }
  func.func @transform_9(%arg0: i32) -> (i32, i32) {
    %c0_i32 = arith.constant 0 : i32
    %c0_i32_0 = arith.constant 0 : i32
    return %arg0, %c0_i32 : i32, i32
  }
  func.func @transform_10(%arg0: i32) -> (i32, i32) {
    %c0_i32 = arith.constant 0 : i32
    %c0_i32_0 = arith.constant 0 : i32
    %c0_i32_1 = arith.constant 0 : i32
    return %c0_i32, %c0_i32_0 : i32, i32
  }
  func.func @transform_11(%arg0: i32) -> (i32, i32) {
    %c0_i32 = arith.constant 0 : i32
    %c0_i32_0 = arith.constant 0 : i32
    %c0_i32_1 = arith.constant 0 : i32
    return %c0_i32, %c0_i32_0 : i32, i32
  }
}

</mosaic_0001>

<sc_bundles>
// kernel: kernel.10.cloned.1.call-start
scs
__scs_entry_jumppad:
0x0: {  	(pc) =	sbr.rel $0x88, $3  }
0x1: {  	(tag) =	ssettag $0x0;
	lr =	simm.s32 $0x1  }
0x2: {  	[smem:$0x3F95] =	sst lr;
	_ =	strace $0xD0000000  }
0x3: {  	_ = 	snop  }
0x4: {  	_ = 	snop  }
0x5: {  	_ = 	snop  }
0x6: {  	_ = 	snop  }
0x7: {  	_ = 	snop  }
__scs_overlays_trampoline_lowered:
0x8: {  	[smem:$0x3FA4] =	sst s0  }
0x9: {  	[smem:$0x3FA5] =	sst s1  }
0xa: {  	[smem:$0x3FA6] =	sst s2  }
0xb: {  	[smem:$0x3FA7] =	sst s3  }
0xc: {  	[smem:$0x3FA8] =	sst s4  }
0xd: {  	[smem:$0x3FA9] =	sst s5  }
0xe: {  	[smem:$0x3FAA] =	sst s6  }
0xf: {  	[smem:$0x3FAB] =	sst s7  }
0x10: {  	[smem:$0x3FAC] =	sst s8  }
0x11: {  	[smem:$0x3FAD] =	sst s9;
	s0 =	simm.s32 @!p0 $0x0  }
0x12: {  	s1 =	sld [smem:$0x3F93];
	s0 =	simm.s32 @p0 $0x1  }
0x13: {  	[smem:$0x3FAE] =	sst s0;
	s0 =	simm.s32 @!p1 $0x0  }
0x14: {  	s2 =	sld [smem:$0x3F92];
	s0 =	simm.s32 @p1 $0x1  }
0x15: {  	[smem:$0x3FAF] =	sst s0;
	s0 =	simm.s32 @!p2 $0x0  }
0x16: {  	s3 =	sld [smem:$0x3FDB];
	s0 =	simm.s32 @p2 $0x1  }
0x17: {  	s4 =	simm.s32 $0x1BF5;
	[smem:$0x3FB1] =	sst s0  }
0x18: {  	s0 =	sld [smem:$0x3F94];
	_ =	swait.ge [sflag:s4], $0x0  }
0x19: {  	s7 =	sld [smem:$0x3F95]  }
0x1a: {  	s8 =	sadd.s32 $0xFFFFE003, lr  }
0x1b: {  	s9 =	sadd.s32 $0xFFFFFEF7, lr;
	s5 =	simm.s32 $0xFFFFFFFF;
	p2 =	slt.u32 s8, $0xFFFFF086  }
0x1c: {  	p1 =	slt.u32 s9, $0xF7A;
	s5 =	simm.s32 @!p2 $0x0  }
0x1d: {  	s5 =	simm.s32 @p1 $0x1;
	p0 =	seq.s32 s7, s2  }
0x1e: {  	s7 =	smul.u32 @!p0 $0xF7A, s2;
	p2 =	seq.s32 @!p0 s5, $0x0  }
0x1f: {  	s9 =	smul.u32 $0xF7A, s1;
	s8 =	simm.s32 @!p0 $0x1BF5;
	p2 =	por !p2, p0  }
0x20: {  	[sflag:s8] =	ssyncset.s32 @!p0 $0xFFFFF086;
	s6 =	sadd.s32 @!p0 s3, s7;
	s7 =	simm.s32 @!p0 $0x108  }
0x21: {  	s3 =	sadd.s32 s3, s9;
	s6 =	sadd.s32 @!p0 $0x88, s6;
	s7 =	simm.s32 @p2 $0x1082  }
0x22: {  	[simem:s7], [sflag:s8] =	dma.local @!p0 [hbm:s6], $0xF7A  }
0x23: {  	s9 =	sor.u32 $0xD0000000, s2;
	s6 =	simm.s32 $0x108;
	_ =	swait.ge @!p0 [sflag:s8], $0x0  }
0x24: {  	s3 =	sadd.s32 $0x88, s3;
	s6 =	simm.s32 @!p1 $0x1082;
	[sflag:s4] =	ssyncset.s32 $0xFFFFF086  }
0x25: {  	[simem:s6], [sflag:s4] =	dma.local [hbm:s3], $0xF7A  }
0x26: {  	[smem:$0x3F95] =	sst s1;
	(tag) =	ssettag s2;
	_ =	strace s9  }
0x27: {  	s1 =	sld [smem:$0x3FA5]  }
0x28: {  	s2 =	sld [smem:$0x3FA6]  }
0x29: {  	s4 =	sld [smem:$0x3FA8]  }
0x2a: {  	p0 =	seq.s32 s5, $0x0;
	s5 =	sld [smem:$0x3FA9]  }
0x2b: {  	s6 =	sld [smem:$0x3FAA]  }
0x2c: {  	s7 =	sld [smem:$0x3FAB]  }
0x2d: {  	s3 =	simm.s32 $0x108;
	s8 =	sld [smem:$0x3FAC]  }
0x2e: {  	s3 =	simm.s32 @!p0 $0x1082;
	s9 =	sld [smem:$0x3FAD]  }
0x2f: {  	lr =	sadd.s32 s0, s3;
	s0 =	sld [smem:$0x3FA4]  }
0x30: {  	s3 =	sld [smem:$0x3FA7]  }
0x31: {  	[smem:$0x3FB0] =	sst s10  }
0x32: {  	s10 =	sld [smem:$0x3FAE];
	_ =	sdelay $0x3  }
0x33: {  	p0 =	seq.s32 s10, $0x1;
	s10 =	sld [smem:$0x3FB0];
	_ =	sdelay $0x3  }
0x34: {  	[smem:$0x3FB0] =	sst s10  }
0x35: {  	s10 =	sld [smem:$0x3FAF];
	_ =	sdelay $0x3  }
0x36: {  	p1 =	seq.s32 s10, $0x1;
	s10 =	sld [smem:$0x3FB0];
	_ =	sdelay $0x3  }
0x37: {  	[smem:$0x3FB0] =	sst s10  }
0x38: {  	s10 =	sld [smem:$0x3FB1]  }
0x39: {  	_ = 	snop;
	(pc) =	sbr.ind lr, $3  }
0x3a: {  	_ = 	snop  }
0x3b: {  	_ = 	snop  }
0x3c: {  	p2 =	seq.s32 s10, $0x1;
	s10 =	sld [smem:$0x3FB0]  }
0x3d: {  	_ =	shalt  }
0x3e: {  	_ =	shalt  }
0x3f: {  	_ =	shalt  }
0x40: {  	_ =	shalt  }
0x41: {  	_ =	shalt  }
0x42: {  	_ =	shalt  }
0x43: {  	_ =	shalt  }
0x44: {  	_ =	shalt  }
0x45: {  	_ =	shalt  }
0x46: {  	_ =	shalt  }
0x47: {  	_ =	shalt  }
0x48: {  	_ =	shalt  }
0x49: {  	_ =	shalt  }
0x4a: {  	_ =	shalt  }
0x4b: {  	_ =	shalt  }
0x4c: {  	_ =	shalt  }
0x4d: {  	_ =	shalt  }
0x4e: {  	_ =	shalt  }
0x4f: {  	_ =	shalt  }
0x50: {  	_ =	shalt  }
0x51: {  	_ =	shalt  }
0x52: {  	_ =	shalt  }
0x53: {  	_ =	shalt  }
0x54: {  	_ =	shalt  }
0x55: {  	_ =	shalt  }
0x56: {  	_ =	shalt  }
0x57: {  	_ =	shalt  }
0x58: {  	_ =	shalt  }
0x59: {  	_ =	shalt  }
0x5a: {  	_ =	shalt  }
0x5b: {  	_ =	shalt  }
0x5c: {  	_ =	shalt  }
0x5d: {  	_ =	shalt  }
0x5e: {  	_ =	shalt  }
0x5f: {  	_ =	shalt  }
0x60: {  	_ =	shalt  }
0x61: {  	_ =	shalt  }
0x62: {  	_ =	shalt  }
0x63: {  	_ =	shalt  }
0x64: {  	_ =	shalt  }
0x65: {  	_ =	shalt  }
0x66: {  	_ =	shalt  }
0x67: {  	_ =	shalt  }
0x68: {  	_ =	shalt  }
0x69: {  	_ =	shalt  }
0x6a: {  	_ =	shalt  }
0x6b: {  	_ =	shalt  }
0x6c: {  	_ =	shalt  }
0x6d: {  	_ =	shalt  }
0x6e: {  	_ =	shalt  }
0x6f: {  	_ =	shalt  }
0x70: {  	_ =	shalt  }
0x71: {  	_ =	shalt  }
0x72: {  	_ =	shalt  }
0x73: {  	_ =	shalt  }
0x74: {  	_ =	shalt  }
0x75: {  	_ =	shalt  }
0x76: {  	_ =	shalt  }
0x77: {  	_ =	shalt  }
0x78: {  	_ =	shalt  }
0x79: {  	_ =	shalt  }
0x7a: {  	_ =	shalt  }
0x7b: {  	_ =	shalt  }
0x7c: {  	_ =	shalt  }
0x7d: {  	_ =	shalt  }
0x7e: {  	_ =	shalt  }
0x7f: {  	_ =	shalt  }
0x80: {  	_ =	shalt  }
0x81: {  	_ =	shalt  }
0x82: {  	_ =	shalt  }
0x83: {  	_ =	shalt  }
0x84: {  	_ =	shalt  }
0x85: {  	_ =	shalt  }
0x86: {  	_ =	shalt  }
0x87: {  	_ =	shalt  }
.Lfunc_end0:
.L_simem_size_0:
called_computation.1_lowered:
.L_overlay_start_0:
0x88: {  	s2 =	sld [smem:$0x3FD9]  }
0x89: {  	s3 =	sld [smem:$0x3FFE];
	_ =	sdelay $0x1  }
0x8a: {  	s1 =	srdreg.scid  }
0x8b: {  	s0 =	sand.u32 $0x1, s1  }
0x8c: {  	s14 =	sshll.u32 s0, $0xA;
	s2 =	sadd.s32 s3, s2  }
0x8d: {  	s2 =	sadd.s32 s2, s14  }
0x8e: {  	[smem:$0x3FBC] =	sst s2  }
0x8f: {  	_ = 	snop  }
0x90: {  	s2 =	sld [smem:$0x3FD0];
	_ =	sdelay $0x2  }
0x91: {  	s15 =	simm.s32 $0xA;
	s4 =	simm.s32 $0x10  }
0x92: {  	[smem:s4], [sflag:s15] =	dma.local [hbm:s2], $0x1  }
0x93: {  	_ =	swait.eq [sflag:s15], $0x1  }
0x94: {  	[sflag:s15] =	ssyncset.done $0x0  }
0x95: {  	[sflag:s15] =	ssyncadd.s32 $0xFFFFFFFF  }
0x96: {  	s16 =	sld [smem:$0x10];
	(tm) =	ssettm $0x1  }
0x97: {  	s17 =	sld [smem:$0x3FFB];
	_ =	sdelay $0x3  }
0x98: {  	_ =	strace s17  }
0x99: {  	s3 =	sld [smem:$0x3FFC];
	_ =	sdelay $0x3  }
0x9a: {  	_ =	strace s3  }
0x9b: {  	s3 =	sld [smem:$0x3FFD];
	_ =	sdelay $0x3  }
0x9c: {  	_ =	strace s3  }
0x9d: {  	_ =	strace $0x8FFFFFFF  }
0x9e: {  	s18 =	sld [smem:$0x3FDB];
	_ =	sdelay $0x1  }
0x9f: {  	s19 =	simm.s32 $_scs_section_size  }
0xa0: {  	s5 =	simm.s32 $_size__tile_overlayer_lowered;
	s6 =	simm.s32 $_tile_overlayer_lowered  }
0xa1: {  	s22 =	simm.s32 $0x1BFF;
	s21 =	sshll.u32 s6, $0x1;
	s3 =	sadd.s32 s19, s18  }
0xa2: {  	s7 =	simm.s32 $0x0;
	s20 =	sshll.u32 s5, $0x1;
	s5 =	sadd.s32 s21, s3  }
0xa3: {  	[timem:s7], [sflag:s22] =	dma.local [hbm:s5], s20  }
0xa4: {  	_ =	swait.ge [sflag:s22], s20  }
0xa5: {  	s4 =	ssub.s32 $0x0, s20;
	[sflag:s22] =	ssyncset.done $0x0  }
0xa6: {  	[sflag:s22] =	ssyncadd.s32 s4;
	_ =	sdelay $0x1  }
0xa7: {  	s23 =	simm.s32 $0x1B8B  }
0xa8: {  	_ =	swait.ge [sflag:s23], $0x1  }
0xa9: {  	[sflag:s23] =	ssyncset.done $0x0  }
0xaa: {  	s25 =	simm.s32 $0x1B8E;
	s24 =	sld [smem:$0x3FFE];
	[sflag:s23] =	ssyncadd.s32 $0xFFFFFFFF  }
0xab: {  	s26 =	simm.s32 $execute0_lowered;
	[smem:$0x3FD2] =	sst s25  }
0xac: {  	s5 =	sshll.u32 s26, $0x1;
	_ =	strace $0x80000049;
	[dreg:$0x1] =	wrdreg $0xFFFFFFFF  }
0xad: {  	s28 =	simm.s32 $_size_execute0_lowered;
	s3 =	sadd.s32 s3, s5;
	[dreg:$0x0] =	wrdreg $0x0  }
0xae: {  	s5 =	sshll.u32 s28, $0x1;
	[dreg:$0x2] =	wrdreg s3  }
0xaf: {  	[dreg:$0x3] =	wrdreg s5  }
0xb0: {  	[dreg:$0x4] =	wrdreg $0xC0  }
0xb1: {  	_ =	task [dreg:s7], $0x5FFFF  }
0xb2: {  	[dreg:$0x1] =	wrdreg $0xFFFFFFFF  }
0xb3: {  	[dreg:$0x0] =	wrdreg $0x60  }
0xb4: {  	[dreg:$0x2] =	wrdreg s24  }
0xb5: {  	[dreg:$0x3] =	wrdreg s16  }
0xb6: {  	[dreg:$0x4] =	wrdreg $0x0  }
0xb7: {  	[dreg:$0x5] =	wrdreg $0x9  }
0xb8: {  	_ =	task.clear_ibuf [dreg:s7], $0x6FFFF;
	_ =	strace $0x90000049  }
0xb9: {  	s29 =	simm.s32 $0x9;
	_ =	strace $0x8000004B  }
0xba: {  	_ =	swait.ge [sflag:s29], $0x1  }
0xbb: {  	[sflag:s29] =	ssyncadd.s32 $0xFFFFFFFF  }
0xbc: {  	_ =	strace $0x9000004B  }
0xbd: {  	_ =	sfence  }
0xbe: {  	s30 =	sld [smem:$0x0];
	_ =	sdelay $0x2  }
0xbf: {  	s31 =	sshll.u32 s1, $0xD;
	s1 =	sshrl.u32 s1, $0x2  }
0xc0: {  	s3 =	sand.u32 $0x4000, s31;
	s1 =	sadd.s32 s1, s30  }
0xc1: {  	s0 =	sor.u32 s3, s0;
	s1 =	sshll.u32 s1, $0x11  }
0xc2: {  	s0 =	sor.u32 s1, s0  }
0xc3: {  	s0 =	sadd.s32 $0x8F2B, s0  }
0xc4: {  	[sflag:s0] =	ssyncadd.remote.s32 $0x1  }
0xc5: {  	_ =	sfence.sel $0xFFFF  }
0xc6: {  	[dreg:$0x0] =	wrdreg $0xFFFFFFFF;
	(pc) =	sbr.abs _section_cstart, $3  }
0xc7: {  	[dreg:$0x1] =	wrdreg $0xFFFFFFFF  }
0xc8: {  	_ =	task.clear_ibuf [dreg:s7], $0x2FFFF;
	_ =	strace $0x9FFFFFFF  }
0xc9: {  	(tm) =	ssettm $0x7FFFFFFF  }
tec
execute0_lowered:
.L_overlay_start_1:
0x0: {  	(tag) =	ssettag $0x1  }
0x1: {  	s6 =	rddreg [dreg:$0x0]  }
0x2: {  	s2 =	rddreg [dreg:$0x2];
	s3 =	srdreg.scid  }
0x3: {  	s4 =	simm.s32 $0x0;
	s0 =	stileid.u32;
	s18 =	simm.s32 $0x13980  }
0x4: {  	s28 =	simm.s32 $0x4;
	s29 =	simm.s32 $0x0;
	s9 =	smul.u32 $0x13C00, s0  }
0x5: {  	s7 =	sand.u32 $0x1, s3;
	[smem:$0x7FF] =	sst s4;
	s10 =	smul.u32 $0x4E200, s0  }
0x6: {  	s5 =	sadd.s32 $0x1C000, s6;
	s14 =	sadd.s32 $0x2600, s6;
	s23 =	smul.u32 $0x6400, s0  }
0x7: {  	s20 =	sshll.u32 s0, $0x6;
	s8 =	smul.u32 $0x13C000, s7;
	_ =	strace $0x8000004A  }
0x8: {  	s19 =	sshll.u32 s7, $0x4;
	s11 =	ssub.s32 $0x2, s7;
	s22 =	smul.u32 $0x64000, s7  }
0x9: {  	s12 =	sshrl.u32 s11, $0x1;
	s10 =	sshrl.u32 s10, $0x2;
	s8 =	sadd.s32 s9, s8  }
0xa: {  	s9 =	sor.u32 s0, s19;
	s11 =	ssub.s32 s11, s12;
	s15 =	sadd.s32 s10, s2  }
0xb: {  	s12 =	sadd.s32 s23, s22;
	s19 =	simm.s32 $0x64;
	s22 =	simm.s32 $0x1  }
0xc: {  	s23 =	simm.s32 $0x13900;
	s8 =	sshrl.u32 s8, $0x3;
	s9 =	smul.u32 $0x6400, s9  }
0xd: {  	s10 =	smax.u32 s11, $0x1;
	s25 =	sadd.s32 $0x500, s12;
	s30 =	sadd.s32 $0x400, s12  }
0xe: {  	s15 =	sshrl.u32 s15, $0x3;
	s13 =	sadd.s32 s8, s6;
	s6 =	sor.u32 $0x1C05, s20  }
0xf: {  	s31 =	sshrl.u32 s30, $0x3;
	s20 =	simm.s32 $0x13A80;
	s21 =	sshrl.u32 s9, $0x3  }
0x10: {  	s16 =	sor.u32 $0x200, s9;
	s17 =	sor.u32 $0x300, s9;
	s9 =	sadd.s32 $0x43200, s13  }
0x11: {  	s13 =	sshrl.u32 s25, $0x3;
	s25 =	simm.s32 $0x13A00;
	s7 =	sadd.s32 s14, s21  }
0x12: {  	s24 =	sshrl.u32 s16, $0x3;
	s26 =	sshrl.u32 s17, $0x3;
	s13 =	sadd.s32 s13, s14  }
0x13: {  	s16 =	simm.s32 $0x5;
	s17 =	simm.s32 $0x13880;
	s21 =	simm.s32 $0x16E80  }
0x14: {  	s8 =	sadd.s32 $0x20, s7;
	s11 =	sadd.s32 s14, s24;
	s12 =	sadd.s32 s14, s26  }
0x15: {  	s14 =	sadd.s32 s31, s14;
	s24 =	simm.s32 $0x2;
	s26 =	simm.s32 $0x3  }
.LBB2_1:
0x16: {  	s0 =	rddreg [dreg:$0x1]  }
0x17: {  	[spmem:s15], [sflag:s6] =	dma.local [hbm:s0], $0x2710  }
0x18: {  	_ =	swait.ge [sflag:s16], $0x2710  }
0x19: {  	[sflag:s16] =	ssyncset.done $0x0  }
0x1a: {  	[sflag:s16] =	ssyncadd.s32 $0xFFFFD8F0  }
0x1b: {  	[bflag:$0x0] =	sbarrier.arrive $0xFFFF  }
0x1c: {  	[tilespmem:s17], [sflag:$0x5] =	stream.linear.gather [hbm4b:s7+s4], $0x100, $0x38;
	[tilespmem:$0x1A280] =	vst v63  }
0x1d: {  	_ =	swait.ge [sflag:s16], $0x100  }
0x1e: {  	[sflag:s16] =	ssyncset.done $0x0  }
0x1f: {  	[sflag:s16] =	ssyncadd.s32 $0xFFFFFF00  }
0x20: {  	[tilespmem:s18], [sflag:$0x5] =	stream.linear.gather [hbm4b:s8+s4], $0x100, $0x38;
	[tilespmem:$0x1A280] =	vst v63  }
0x21: {  	_ =	swait.ge [sflag:s16], $0x100  }
0x22: {  	[sflag:s16] =	ssyncset.done $0x0  }
0x23: {  	[sflag:s16] =	ssyncadd.s32 $0xFFFFFF00  }
0x24: {  	[tilespmem:s20], [sflag:$0x1] =	stream.indirect.gather [hbm4b:s5+s19], $0x80, s17, s19, $0xb8;
	[tilespmem:$0x1A280] =	vst v63  }
0x25: {  	_ = 	snop  }
0x26: {  	[tilespmem:s21], [sflag:$0x2] =	stream.indirect.gather [hbm4b:s5+s19], $0x80, s18, s19, $0xb8;
	[tilespmem:$0x1A280] =	vst v63  }
0x27: {  	_ =	swait.ge [sflag:s22], $0x3200  }
0x28: {  	[sflag:s22] =	ssyncset.done $0x0  }
0x29: {  	[sflag:s22] =	ssyncadd.s32 $0xFFFFCE00  }
0x2a: {  	[spmem:s2] =	stream.indirect.scatter.add.f32 [tilespmem:s20], [sflag:$0x5], $0x80, s23, s19, $0xb8;
	[tilespmem:$0x1A280] =	vst v63  }
0x2b: {  	_ =	swait.ge [sflag:s16], $0x3200  }
0x2c: {  	[sflag:s16] =	ssyncset.done $0x0  }
0x2d: {  	[sflag:s16] =	ssyncadd.s32 $0xFFFFCE00  }
0x2e: {  	[tilespmem:s17], [sflag:$0x3] =	stream.linear.gather [hbm4b:s11+s4], $0x100, $0x38;
	[tilespmem:$0x1A280] =	vst v63  }
0x2f: {  	_ =	swait.ge [sflag:s24], $0x3200  }
0x30: {  	[sflag:s24] =	ssyncset.done $0x0  }
0x31: {  	[sflag:s24] =	ssyncadd.s32 $0xFFFFCE00  }
0x32: {  	[spmem:s2] =	stream.indirect.scatter.add.f32 [tilespmem:s21], [sflag:$0x5], $0x80, s25, s19, $0xb8;
	[tilespmem:$0x1A280] =	vst v63  }
0x33: {  	_ =	swait.ge [sflag:s16], $0x3200  }
0x34: {  	[sflag:s16] =	ssyncset.done $0x0  }
0x35: {  	[sflag:s16] =	ssyncadd.s32 $0xFFFFCE00  }
0x36: {  	[tilespmem:s18], [sflag:$0x4] =	stream.linear.gather [hbm4b:s12+s4], $0x100, $0x38;
	[tilespmem:$0x1A280] =	vst v63  }
0x37: {  	_ =	swait.ge [sflag:s26], $0x100  }
0x38: {  	[sflag:s26] =	ssyncset.done $0x0  }
0x39: {  	[sflag:s26] =	ssyncadd.s32 $0xFFFFFF00  }
0x3a: {  	[tilespmem:s20], [sflag:$0x1] =	stream.indirect.gather [hbm4b:s5+s19], $0x80, s17, s19, $0xb8;
	[tilespmem:$0x1A280] =	vst v63  }
0x3b: {  	_ =	swait.ge [sflag:s28], $0x100  }
0x3c: {  	[sflag:s28] =	ssyncset.done $0x0  }
0x3d: {  	[sflag:s28] =	ssyncadd.s32 $0xFFFFFF00  }
0x3e: {  	[tilespmem:s21], [sflag:$0x2] =	stream.indirect.gather [hbm4b:s5+s19], $0x80, s18, s19, $0xb8;
	[tilespmem:$0x1A280] =	vst v63  }
0x3f: {  	_ =	swait.ge [sflag:s22], $0x3200  }
0x40: {  	[sflag:s22] =	ssyncset.done $0x0  }
0x41: {  	[sflag:s22] =	ssyncadd.s32 $0xFFFFCE00  }
0x42: {  	[spmem:s2] =	stream.indirect.scatter.add.f32 [tilespmem:s20], [sflag:$0x5], $0x80, s23, s19, $0xb8;
	[tilespmem:$0x1A280] =	vst v63  }
0x43: {  	_ =	swait.ge [sflag:s16], $0x3200  }
0x44: {  	[sflag:s16] =	ssyncset.done $0x0  }
0x45: {  	s30 =	sadd.s32 $0x0, s14;
	[sflag:s16] =	ssyncadd.s32 $0xFFFFCE00  }
0x46: {  	[tilespmem:s17], [sflag:$0x3] =	stream.linear.gather [hbm4b:s30+s4], $0x100, $0x38;
	[tilespmem:$0x1A280] =	vst v63  }
0x47: {  	_ =	swait.ge [sflag:s24], $0x3200  }
0x48: {  	[sflag:s24] =	ssyncset.done $0x0  }
0x49: {  	[sflag:s24] =	ssyncadd.s32 $0xFFFFCE00  }
0x4a: {  	[spmem:s2] =	stream.indirect.scatter.add.f32 [tilespmem:s21], [sflag:$0x5], $0x80, s25, s19, $0xb8;
	[tilespmem:$0x1A280] =	vst v63  }
0x4b: {  	_ =	swait.ge [sflag:s16], $0x3200  }
0x4c: {  	[sflag:s16] =	ssyncset.done $0x0  }
0x4d: {  	s30 =	sadd.s32 $0x0, s13;
	[sflag:s16] =	ssyncadd.s32 $0xFFFFCE00  }
0x4e: {  	[tilespmem:s18], [sflag:$0x4] =	stream.linear.gather [hbm4b:s30+s4], $0x100, $0x38;
	[tilespmem:$0x1A280] =	vst v63  }
0x4f: {  	_ =	swait.ge [sflag:s26], $0x100  }
0x50: {  	[sflag:s26] =	ssyncset.done $0x0  }
0x51: {  	[sflag:s26] =	ssyncadd.s32 $0xFFFFFF00  }
0x52: {  	[tilespmem:s20], [sflag:$0x1] =	stream.indirect.gather [hbm4b:s5+s19], $0x80, s17, s19, $0xb8;
	[tilespmem:$0x1A280] =	vst v63  }
0x53: {  	_ =	swait.ge [sflag:s28], $0x100  }
0x54: {  	[sflag:s28] =	ssyncset.done $0x0  }
0x55: {  	[sflag:s28] =	ssyncadd.s32 $0xFFFFFF00  }
0x56: {  	[tilespmem:s21], [sflag:$0x2] =	stream.indirect.gather [hbm4b:s5+s19], $0x80, s18, s19, $0xb8;
	[tilespmem:$0x1A280] =	vst v63  }
0x57: {  	_ =	swait.ge [sflag:s22], $0x3200  }
0x58: {  	[sflag:s22] =	ssyncset.done $0x0  }
0x59: {  	[sflag:s22] =	ssyncadd.s32 $0xFFFFCE00  }
0x5a: {  	[spmem:s2] =	stream.indirect.scatter.add.f32 [tilespmem:s20], [sflag:$0x5], $0x80, s23, s19, $0xb8;
	[tilespmem:$0x1A280] =	vst v63  }
0x5b: {  	_ =	swait.ge [sflag:s16], $0x3200  }
0x5c: {  	s31 =	simm.s32 $0x80;
	s30 =	simm.s32 $0x40;
	[sflag:s16] =	ssyncset.done $0x0  }
.LBB2_2:
0x5d: {  	s0 =	sadd.s32 s30, s14  }
0x5e: {  	[sflag:s16] =	ssyncadd.s32 $0xFFFFCE00;
	s3 =	smov.u32 s31;
	s1 =	sadd.s32 $0x40, s31  }
0x5f: {  	[tilespmem:s17], [sflag:$0x3] =	stream.linear.gather [hbm4b:s0+s4], $0x100, $0x38;
	[tilespmem:$0x1A280] =	vst v63  }
0x60: {  	p0 =	sne.s32 s31, $0xBC0;
	_ =	swait.ge [sflag:s24], $0x3200  }
0x61: {  	[sflag:s24] =	ssyncset.done $0x0  }
0x62: {  	[sflag:s24] =	ssyncadd.s32 $0xFFFFCE00  }
0x63: {  	[spmem:s2] =	stream.indirect.scatter.add.f32 [tilespmem:s21], [sflag:$0x5], $0x80, s25, s19, $0xb8;
	[tilespmem:$0x1A280] =	vst v63  }
0x64: {  	_ =	swait.ge [sflag:s16], $0x3200  }
0x65: {  	[sflag:s16] =	ssyncset.done $0x0  }
0x66: {  	s0 =	sadd.s32 s30, s13;
	s30 =	smov.u32 s3;
	[sflag:s16] =	ssyncadd.s32 $0xFFFFCE00  }
0x67: {  	[tilespmem:s18], [sflag:$0x4] =	stream.linear.gather [hbm4b:s0+s4], $0x100, $0x38;
	[tilespmem:$0x1A280] =	vst v63  }
0x68: {  	_ =	swait.ge [sflag:s26], $0x100  }
0x69: {  	[sflag:s26] =	ssyncset.done $0x0  }
0x6a: {  	[sflag:s26] =	ssyncadd.s32 $0xFFFFFF00  }
0x6b: {  	[tilespmem:s20], [sflag:$0x1] =	stream.indirect.gather [hbm4b:s5+s19], $0x80, s17, s19, $0xb8;
	[tilespmem:$0x1A280] =	vst v63  }
0x6c: {  	_ =	swait.ge [sflag:s28], $0x100  }
0x6d: {  	[sflag:s28] =	ssyncset.done $0x0  }
0x6e: {  	[sflag:s28] =	ssyncadd.s32 $0xFFFFFF00  }
0x6f: {  	[tilespmem:s21], [sflag:$0x2] =	stream.indirect.gather [hbm4b:s5+s19], $0x80, s18, s19, $0xb8;
	[tilespmem:$0x1A280] =	vst v63  }
0x70: {  	_ =	swait.ge [sflag:s22], $0x3200  }
.Ltmp0:
0x71: {  	[sflag:s22] =	ssyncset.done $0x0;
	(pc) =	sbr.rel @p0 .LBB2_2-.Ltmp0, $4  }
0x72: {  	[sflag:s22] =	ssyncadd.s32 $0xFFFFCE00  }
0x73: {  	[spmem:s2] =	stream.indirect.scatter.add.f32 [tilespmem:s20], [sflag:$0x5], $0x80, s23, s19, $0xb8;
	[tilespmem:$0x1A280] =	vst v63  }
0x74: {  	_ =	swait.ge [sflag:s16], $0x3200  }
0x75: {  	s31 =	smov.u32 s1;
	[sflag:s16] =	ssyncset.done $0x0  }
0x76: {  	s0 =	sadd.s32 s30, s14;
	[sflag:s16] =	ssyncadd.s32 $0xFFFFCE00  }
0x77: {  	[tilespmem:s17], [sflag:$0x3] =	stream.linear.gather [hbm4b:s0+s4], $0x100, $0x38;
	[tilespmem:$0x1A280] =	vst v63  }
0x78: {  	_ =	swait.ge [sflag:s24], $0x3200  }
0x79: {  	[sflag:s24] =	ssyncset.done $0x0  }
0x7a: {  	[sflag:s24] =	ssyncadd.s32 $0xFFFFCE00  }
0x7b: {  	[spmem:s2] =	stream.indirect.scatter.add.f32 [tilespmem:s21], [sflag:$0x5], $0x80, s25, s19, $0xb8;
	[tilespmem:$0x1A280] =	vst v63  }
0x7c: {  	_ =	swait.ge [sflag:s16], $0x3200  }
0x7d: {  	[sflag:s16] =	ssyncset.done $0x0  }
0x7e: {  	s31 =	sadd.s32 s30, s13;
	[sflag:s16] =	ssyncadd.s32 $0xFFFFCE00  }
0x7f: {  	[tilespmem:s18], [sflag:$0x4] =	stream.linear.gather [hbm4b:s31+s4], $0x100, $0x38;
	[tilespmem:$0x1A280] =	vst v63  }
0x80: {  	_ =	swait.ge [sflag:s26], $0x100  }
0x81: {  	[sflag:s26] =	ssyncset.done $0x0  }
0x82: {  	[sflag:s26] =	ssyncadd.s32 $0xFFFFFF00  }
0x83: {  	[tilespmem:s20], [sflag:$0x1] =	stream.indirect.gather [hbm4b:s5+s19], $0x80, s17, s19, $0xb8;
	[tilespmem:$0x1A280] =	vst v63  }
0x84: {  	_ =	swait.ge [sflag:s28], $0x100  }
0x85: {  	[sflag:s28] =	ssyncset.done $0x0  }
0x86: {  	[sflag:s28] =	ssyncadd.s32 $0xFFFFFF00  }
0x87: {  	[tilespmem:s21], [sflag:$0x2] =	stream.indirect.gather [hbm4b:s5+s19], $0x80, s18, s19, $0xb8;
	[tilespmem:$0x1A280] =	vst v63  }
0x88: {  	_ =	swait.ge [sflag:s22], $0x3200  }
0x89: {  	[sflag:s22] =	ssyncset.done $0x0  }
0x8a: {  	[sflag:s22] =	ssyncadd.s32 $0xFFFFCE00  }
0x8b: {  	[spmem:s2] =	stream.indirect.scatter.add.f32 [tilespmem:s20], [sflag:$0x5], $0x80, s23, s19, $0xb8;
	[tilespmem:$0x1A280] =	vst v63  }
0x8c: {  	_ =	swait.ge [sflag:s16], $0x3200  }
0x8d: {  	[sflag:s16] =	ssyncset.done $0x0  }
0x8e: {  	[sflag:s16] =	ssyncadd.s32 $0xFFFFCE00  }
0x8f: {  	_ =	swait.ge [sflag:s24], $0x3200  }
0x90: {  	[sflag:s24] =	ssyncset.done $0x0  }
0x91: {  	[sflag:s24] =	ssyncadd.s32 $0xFFFFCE00  }
0x92: {  	[spmem:s2] =	stream.indirect.scatter.add.f32 [tilespmem:s21], [sflag:$0x5], $0x80, s25, s19, $0xb8;
	[tilespmem:$0x1A280] =	vst v63  }
0x93: {  	_ =	swait.ge [sflag:s16], $0x3200  }
0x94: {  	[sflag:s16] =	ssyncset.done $0x0  }
0x95: {  	s29 =	sadd.s32 $0x1, s29;
	[sflag:s16] =	ssyncadd.s32 $0xFFFFCE00  }
0x96: {  	p0 =	sne.s32 s29, s10;
	[bflag:$0x0] =	sbarrier.arrive $0xFFFF  }
0x97: {  	[hbm:s9], [sflag:s6] =	dma.local [spmem:s15], $0x2710  }
.Ltmp1:
0x98: {  	_ =	swait.ge [sflag:s16], $0x2710;
	(pc) =	sbr.rel @p0 .LBB2_1-.Ltmp1, $3  }
0x99: {  	[sflag:s16] =	ssyncset.done $0x0  }
0x9a: {  	[sflag:s16] =	ssyncadd.s32 $0xFFFFD8F0  }
0x9b: {  	[bflag:$0x0] =	sbarrier.arrive $0xFFFF;
	_ =	sdelay $0x1  }
0x9c: {  	_ =	sfence.sel $0x180000  }
0x9d: {  	[bflag:$0x0] =	sbarrier.arrive $0xFFFF  }
0x9e: {  	_ =	strace $0x9000004A  }
0x9f: {  	s0 =	stileid.u32;
	[bflag:$0x2] =	sbarrier.arrive $0xFFFF  }
0xa0: {  	p0 =	sne.s32 s0, $0x0;
	s0 =	rddreg [dreg:$0x3]  }
0xa1: {  	s0 =	sadd.s32 @!p0 $0x100000, s0  }
0xa2: {  	[sflag:s0] =	ssyncadd.tile.s32 @!p0 $0x1;
	_ =	shalt  }
.Lfunc_end2:
_tile_overlayer_lowered:
.L_overlay_start_2:
0xa3: {  	(tag) =	ssettag $0x2  }
0xa4: {  	s0 =	rddreg [dreg:$0x0];
	s2 =	stileid.u32  }
0xa5: {  	s1 =	rddreg [dreg:$0x1];
	p0 =	sne.s32 s2, $0x0  }
0xa6: {  	s3 =	rddreg [dreg:$0x2];
	[bflag:$0x3] =	sbarrier.arrive $0xFFFF;
	s2 =	simm.s32 @!p0 $0x1C05  }
0xa7: {  	[timem:s3], [sflag:s2] =	dma.local @!p0 [hbm:s0], s1  }
0xa8: {  	s0 =	simm.s32 @!p0 $0x5  }
0xa9: {  	_ =	swait.ge @!p0 [sflag:s0], s1  }
0xaa: {  	s1 =	ssub.s32 @!p0 $0x0, s1;
	[sflag:s0] =	ssyncset.done @!p0 $0x0  }
0xab: {  	[sflag:s0] =	ssyncadd.s32 @!p0 s1  }
0xac: {  	[bflag:$0x3] =	sbarrier.arrive $0xFFFF  }
0xad: {  	_ =	shalt  }

// kernel: kernel.7.cloned.1.call-start
scs
__scs_entry_jumppad:
0x0: {  	(pc) =	sbr.rel $0x88, $3  }
0x1: {  	(tag) =	ssettag $0x0;
	lr =	simm.s32 $0x1  }
0x2: {  	[smem:$0x3F95] =	sst lr;
	_ =	strace $0xD0000000  }
0x3: {  	_ = 	snop  }
0x4: {  	_ = 	snop  }
0x5: {  	_ = 	snop  }
0x6: {  	_ = 	snop  }
0x7: {  	_ = 	snop  }
__scs_overlays_trampoline_lowered:
0x8: {  	[smem:$0x3FA4] =	sst s0  }
0x9: {  	[smem:$0x3FA5] =	sst s1  }
0xa: {  	[smem:$0x3FA6] =	sst s2  }
0xb: {  	[smem:$0x3FA7] =	sst s3  }
0xc: {  	[smem:$0x3FA8] =	sst s4  }
0xd: {  	[smem:$0x3FA9] =	sst s5  }
0xe: {  	[smem:$0x3FAA] =	sst s6  }
0xf: {  	[smem:$0x3FAB] =	sst s7  }
0x10: {  	[smem:$0x3FAC] =	sst s8  }
0x11: {  	[smem:$0x3FAD] =	sst s9;
	s0 =	simm.s32 @!p0 $0x0  }
0x12: {  	s1 =	sld [smem:$0x3F93];
	s0 =	simm.s32 @p0 $0x1  }
0x13: {  	[smem:$0x3FAE] =	sst s0;
	s0 =	simm.s32 @!p1 $0x0  }
0x14: {  	s2 =	sld [smem:$0x3F92];
	s0 =	simm.s32 @p1 $0x1  }
0x15: {  	[smem:$0x3FAF] =	sst s0;
	s0 =	simm.s32 @!p2 $0x0  }
0x16: {  	s3 =	sld [smem:$0x3FDB];
	s0 =	simm.s32 @p2 $0x1  }
0x17: {  	s4 =	simm.s32 $0x1BF5;
	[smem:$0x3FB1] =	sst s0  }
0x18: {  	s0 =	sld [smem:$0x3F94];
	_ =	swait.ge [sflag:s4], $0x0  }
0x19: {  	s7 =	sld [smem:$0x3F95]  }
0x1a: {  	s8 =	sadd.s32 $0xFFFFE003, lr  }
0x1b: {  	s9 =	sadd.s32 $0xFFFFFEF7, lr;
	s5 =	simm.s32 $0xFFFFFFFF;
	p2 =	slt.u32 s8, $0xFFFFF086  }
0x1c: {  	p1 =	slt.u32 s9, $0xF7A;
	s5 =	simm.s32 @!p2 $0x0  }
0x1d: {  	s5 =	simm.s32 @p1 $0x1;
	p0 =	seq.s32 s7, s2  }
0x1e: {  	s7 =	smul.u32 @!p0 $0xF7A, s2;
	p2 =	seq.s32 @!p0 s5, $0x0  }
0x1f: {  	s9 =	smul.u32 $0xF7A, s1;
	s8 =	simm.s32 @!p0 $0x1BF5;
	p2 =	por !p2, p0  }
0x20: {  	[sflag:s8] =	ssyncset.s32 @!p0 $0xFFFFF086;
	s6 =	sadd.s32 @!p0 s3, s7;
	s7 =	simm.s32 @!p0 $0x108  }
0x21: {  	s3 =	sadd.s32 s3, s9;
	s6 =	sadd.s32 @!p0 $0x88, s6;
	s7 =	simm.s32 @p2 $0x1082  }
0x22: {  	[simem:s7], [sflag:s8] =	dma.local @!p0 [hbm:s6], $0xF7A  }
0x23: {  	s9 =	sor.u32 $0xD0000000, s2;
	s6 =	simm.s32 $0x108;
	_ =	swait.ge @!p0 [sflag:s8], $0x0  }
0x24: {  	s3 =	sadd.s32 $0x88, s3;
	s6 =	simm.s32 @!p1 $0x1082;
	[sflag:s4] =	ssyncset.s32 $0xFFFFF086  }
0x25: {  	[simem:s6], [sflag:s4] =	dma.local [hbm:s3], $0xF7A  }
0x26: {  	[smem:$0x3F95] =	sst s1;
	(tag) =	ssettag s2;
	_ =	strace s9  }
0x27: {  	s1 =	sld [smem:$0x3FA5]  }
0x28: {  	s2 =	sld [smem:$0x3FA6]  }
0x29: {  	s4 =	sld [smem:$0x3FA8]  }
0x2a: {  	p0 =	seq.s32 s5, $0x0;
	s5 =	sld [smem:$0x3FA9]  }
0x2b: {  	s6 =	sld [smem:$0x3FAA]  }
0x2c: {  	s7 =	sld [smem:$0x3FAB]  }
0x2d: {  	s3 =	simm.s32 $0x108;
	s8 =	sld [smem:$0x3FAC]  }
0x2e: {  	s3 =	simm.s32 @!p0 $0x1082;
	s9 =	sld [smem:$0x3FAD]  }
0x2f: {  	lr =	sadd.s32 s0, s3;
	s0 =	sld [smem:$0x3FA4]  }
0x30: {  	s3 =	sld [smem:$0x3FA7]  }
0x31: {  	[smem:$0x3FB0] =	sst s10  }
0x32: {  	s10 =	sld [smem:$0x3FAE];
	_ =	sdelay $0x3  }
0x33: {  	p0 =	seq.s32 s10, $0x1;
	s10 =	sld [smem:$0x3FB0];
	_ =	sdelay $0x3  }
0x34: {  	[smem:$0x3FB0] =	sst s10  }
0x35: {  	s10 =	sld [smem:$0x3FAF];
	_ =	sdelay $0x3  }
0x36: {  	p1 =	seq.s32 s10, $0x1;
	s10 =	sld [smem:$0x3FB0];
	_ =	sdelay $0x3  }
0x37: {  	[smem:$0x3FB0] =	sst s10  }
0x38: {  	s10 =	sld [smem:$0x3FB1]  }
0x39: {  	_ = 	snop;
	(pc) =	sbr.ind lr, $3  }
0x3a: {  	_ = 	snop  }
0x3b: {  	_ = 	snop  }
0x3c: {  	p2 =	seq.s32 s10, $0x1;
	s10 =	sld [smem:$0x3FB0]  }
0x3d: {  	_ =	shalt  }
0x3e: {  	_ =	shalt  }
0x3f: {  	_ =	shalt  }
0x40: {  	_ =	shalt  }
0x41: {  	_ =	shalt  }
0x42: {  	_ =	shalt  }
0x43: {  	_ =	shalt  }
0x44: {  	_ =	shalt  }
0x45: {  	_ =	shalt  }
0x46: {  	_ =	shalt  }
0x47: {  	_ =	shalt  }
0x48: {  	_ =	shalt  }
0x49: {  	_ =	shalt  }
0x4a: {  	_ =	shalt  }
0x4b: {  	_ =	shalt  }
0x4c: {  	_ =	shalt  }
0x4d: {  	_ =	shalt  }
0x4e: {  	_ =	shalt  }
0x4f: {  	_ =	shalt  }
0x50: {  	_ =	shalt  }
0x51: {  	_ =	shalt  }
0x52: {  	_ =	shalt  }
0x53: {  	_ =	shalt  }
0x54: {  	_ =	shalt  }
0x55: {  	_ =	shalt  }
0x56: {  	_ =	shalt  }
0x57: {  	_ =	shalt  }
0x58: {  	_ =	shalt  }
0x59: {  	_ =	shalt  }
0x5a: {  	_ =	shalt  }
0x5b: {  	_ =	shalt  }
0x5c: {  	_ =	shalt  }
0x5d: {  	_ =	shalt  }
0x5e: {  	_ =	shalt  }
0x5f: {  	_ =	shalt  }
0x60: {  	_ =	shalt  }
0x61: {  	_ =	shalt  }
0x62: {  	_ =	shalt  }
0x63: {  	_ =	shalt  }
0x64: {  	_ =	shalt  }
0x65: {  	_ =	shalt  }
0x66: {  	_ =	shalt  }
0x67: {  	_ =	shalt  }
0x68: {  	_ =	shalt  }
0x69: {  	_ =	shalt  }
0x6a: {  	_ =	shalt  }
0x6b: {  	_ =	shalt  }
0x6c: {  	_ =	shalt  }
0x6d: {  	_ =	shalt  }
0x6e: {  	_ =	shalt  }
0x6f: {  	_ =	shalt  }
0x70: {  	_ =	shalt  }
0x71: {  	_ =	shalt  }
0x72: {  	_ =	shalt  }
0x73: {  	_ =	shalt  }
0x74: {  	_ =	shalt  }
0x75: {  	_ =	shalt  }
0x76: {  	_ =	shalt  }
0x77: {  	_ =	shalt  }
0x78: {  	_ =	shalt  }
0x79: {  	_ =	shalt  }
0x7a: {  	_ =	shalt  }
0x7b: {  	_ =	shalt  }
0x7c: {  	_ =	shalt  }
0x7d: {  	_ =	shalt  }
0x7e: {  	_ =	shalt  }
0x7f: {  	_ =	shalt  }
0x80: {  	_ =	shalt  }
0x81: {  	_ =	shalt  }
0x82: {  	_ =	shalt  }
0x83: {  	_ =	shalt  }
0x84: {  	_ =	shalt  }
0x85: {  	_ =	shalt  }
0x86: {  	_ =	shalt  }
0x87: {  	_ =	shalt  }
.Lfunc_end0:
.L_simem_size_0:
called_computation_lowered:
.L_overlay_start_0:
0x88: {  	s2 =	sld [smem:$0x3FD9]  }
0x89: {  	s3 =	sld [smem:$0x3FFE];
	_ =	sdelay $0x1  }
0x8a: {  	s1 =	srdreg.scid  }
0x8b: {  	s0 =	sand.u32 $0x1, s1  }
0x8c: {  	s14 =	sshll.u32 s0, $0xA;
	s2 =	sadd.s32 s3, s2  }
0x8d: {  	s2 =	sadd.s32 s2, s14  }
0x8e: {  	[smem:$0x3FBC] =	sst s2  }
0x8f: {  	_ = 	snop  }
0x90: {  	s2 =	sld [smem:$0x3FD0];
	_ =	sdelay $0x2  }
0x91: {  	s15 =	simm.s32 $0xA;
	s4 =	simm.s32 $0x10  }
0x92: {  	[smem:s4], [sflag:s15] =	dma.local [hbm:s2], $0x1  }
0x93: {  	_ =	swait.eq [sflag:s15], $0x1  }
0x94: {  	[sflag:s15] =	ssyncset.done $0x0  }
0x95: {  	s16 =	sld [smem:$0x10];
	[sflag:s15] =	ssyncadd.s32 $0xFFFFFFFF  }
0x96: {  	s17 =	sld [smem:$0x13];
	(tm) =	ssettm $0x1  }
0x97: {  	s18 =	sld [smem:$0x3FFB];
	_ =	sdelay $0x3  }
0x98: {  	_ =	strace s18  }
0x99: {  	s4 =	sld [smem:$0x3FFC];
	_ =	sdelay $0x3  }
0x9a: {  	_ =	strace s4  }
0x9b: {  	s4 =	sld [smem:$0x3FFD];
	_ =	sdelay $0x3  }
0x9c: {  	_ =	strace s4  }
0x9d: {  	_ =	strace $0x8FFFFFFF  }
0x9e: {  	s19 =	sld [smem:$0x3FDB];
	_ =	sdelay $0x1  }
0x9f: {  	s5 =	simm.s32 $_scs_section_size  }
0xa0: {  	s6 =	simm.s32 $_size__tile_overlayer_lowered;
	s7 =	simm.s32 $_tile_overlayer_lowered  }
0xa1: {  	s22 =	simm.s32 $0x1BFF;
	s21 =	sshll.u32 s7, $0x1;
	s4 =	sadd.s32 s5, s19  }
0xa2: {  	s8 =	simm.s32 $0x0;
	s20 =	sshll.u32 s6, $0x1;
	s6 =	sadd.s32 s21, s4  }
0xa3: {  	[timem:s8], [sflag:s22] =	dma.local [hbm:s6], s20  }
0xa4: {  	_ =	swait.ge [sflag:s22], s20  }
0xa5: {  	s5 =	ssub.s32 $0x0, s20;
	[sflag:s22] =	ssyncset.done $0x0  }
0xa6: {  	[sflag:s22] =	ssyncadd.s32 s5;
	_ =	sdelay $0x1  }
0xa7: {  	s23 =	simm.s32 $0x1B8B  }
0xa8: {  	_ =	swait.ge [sflag:s23], $0x1  }
0xa9: {  	[sflag:s23] =	ssyncset.done $0x0  }
0xaa: {  	s25 =	simm.s32 $0x1B8E;
	s24 =	sld [smem:$0x3FFE];
	[sflag:s23] =	ssyncadd.s32 $0xFFFFFFFF  }
0xab: {  	s26 =	simm.s32 $execute0_lowered;
	[smem:$0x3FD2] =	sst s25  }
0xac: {  	s6 =	sshll.u32 s26, $0x1;
	_ =	strace $0x80000046;
	[dreg:$0x1] =	wrdreg $0xFFFFFFFF  }
0xad: {  	s28 =	simm.s32 $_size_execute0_lowered;
	s4 =	sadd.s32 s4, s6;
	[dreg:$0x0] =	wrdreg $0x0  }
0xae: {  	s6 =	sshll.u32 s28, $0x1;
	[dreg:$0x2] =	wrdreg s4  }
0xaf: {  	[dreg:$0x3] =	wrdreg s6  }
0xb0: {  	[dreg:$0x4] =	wrdreg $0xC0  }
0xb1: {  	_ =	task [dreg:s8], $0x5FFFF  }
0xb2: {  	[dreg:$0x1] =	wrdreg $0xFFFFFFFF  }
0xb3: {  	[dreg:$0x0] =	wrdreg $0x60  }
0xb4: {  	[dreg:$0x2] =	wrdreg s17  }
0xb5: {  	[dreg:$0x3] =	wrdreg s24  }
0xb6: {  	[dreg:$0x4] =	wrdreg s16  }
0xb7: {  	[dreg:$0x5] =	wrdreg $0x0  }
0xb8: {  	[dreg:$0x6] =	wrdreg $0x9  }
0xb9: {  	_ =	task.clear_ibuf [dreg:s8], $0x7FFFF;
	_ =	strace $0x90000046  }
0xba: {  	s29 =	simm.s32 $0x9;
	_ =	strace $0x80000048  }
0xbb: {  	_ =	swait.ge [sflag:s29], $0x1  }
0xbc: {  	[sflag:s29] =	ssyncadd.s32 $0xFFFFFFFF  }
0xbd: {  	_ =	strace $0x90000048  }
0xbe: {  	_ =	sfence  }
0xbf: {  	s30 =	sld [smem:$0x0];
	_ =	sdelay $0x2  }
0xc0: {  	s31 =	sshll.u32 s1, $0xD;
	s1 =	sshrl.u32 s1, $0x2  }
0xc1: {  	s3 =	sand.u32 $0x4000, s31;
	s1 =	sadd.s32 s1, s30  }
0xc2: {  	s0 =	sor.u32 s3, s0;
	s1 =	sshll.u32 s1, $0x11  }
0xc3: {  	s0 =	sor.u32 s1, s0  }
0xc4: {  	s0 =	sadd.s32 $0x8F2B, s0  }
0xc5: {  	[sflag:s0] =	ssyncadd.remote.s32 $0x1  }
0xc6: {  	_ =	sfence.sel $0xFFFF  }
0xc7: {  	[dreg:$0x0] =	wrdreg $0xFFFFFFFF;
	(pc) =	sbr.abs _section_cstart, $3  }
0xc8: {  	[dreg:$0x1] =	wrdreg $0xFFFFFFFF  }
0xc9: {  	_ =	task.clear_ibuf [dreg:s8], $0x2FFFF;
	_ =	strace $0x9FFFFFFF  }
0xca: {  	(tm) =	ssettm $0x7FFFFFFF  }
0xcb: {  	_ =	shalt  }
tec
execute0_lowered:
.L_overlay_start_1:
0x0: {  	(tag) =	ssettag $0x1  }
0x1: {  	s1 =	rddreg [dreg:$0x0]  }
0x2: {  	s0 =	rddreg [dreg:$0x1]  }
0x3: {  	s3 =	rddreg [dreg:$0x3]  }
0x4: {  	s5 =	simm.s32 $0x0;
	s2 =	srdreg.scid;
	s12 =	stileid.u32  }
0x5: {  	s28 =	simm.s32 $0x13A80;
	s29 =	simm.s32 $0x16E80;
	s30 =	simm.s32 $0x1  }
0x6: {  	s31 =	simm.s32 $0x13900;
	[smem:$0x7FF] =	sst s5;
	s2 =	sand.u32 $0x1, s2  }
0x7: {  	s6 =	sshll.u32 s12, $0x6;
	s7 =	smul.u32 $0x13C00, s12;
	s18 =	sadd.s32 $0x2600, s0  }
0x8: {  	s8 =	sadd.s32 $0x1B600, s0;
	s14 =	sadd.s32 $0x1BE00, s0;
	s10 =	smul.u32 $0x4E200, s12  }
0x9: {  	s4 =	smul.u32 $0x13C000, s2;
	_ =	strace $0x80000047;
	[dreg:$0x5] =	wrdreg s8  }
0xa: {  	s9 =	sadd.s32 s6, s0;
	[dreg:$0x6] =	wrdreg s14;
	s15 =	sshll.u32 s2, $0x4  }
0xb: {  	s16 =	ssub.s32 $0x2, s2;
	s8 =	sor.u32 $0x1C05, s6;
	s21 =	smul.u32 $0x64000, s2  }
0xc: {  	p0 =	sne.s32 s2, $0x0;
	s2 =	simm.s32 $0x0;
	s11 =	sshrl.u32 s16, $0x1  }
0xd: {  	s19 =	sshrl.u32 s10, $0x2;
	s9 =	sadd.s32 $0x2200, s9;
	s4 =	sadd.s32 s7, s4  }
0xe: {  	s7 =	sor.u32 s12, s15;
	s17 =	ssub.s32 s16, s11;
	s19 =	sadd.s32 s19, s3  }
0xf: {  	[dreg:$0x7] =	wrdreg s9;
	s16 =	smul.u32 $0x6400, s12;
	s4 =	sshrl.u32 s4, $0x3  }
0x10: {  	s7 =	smul.u32 $0x6400, s7;
	s14 =	smax.u32 s17, $0x1;
	s19 =	sshrl.u32 s19, $0x3  }
0x11: {  	s0 =	sadd.s32 s4, s0;
	s24 =	sadd.s32 s16, s21;
	s21 =	simm.s32 $0x1A280  }
0x12: {  	s20 =	sshrl.u32 s7, $0x3;
	s15 =	sor.u32 $0x200, s7;
	s7 =	sor.u32 $0x300, s7  }
0x13: {  	s22 =	sadd.s32 $0x6B000, s0;
	s0 =	sadd.s32 $0x1C000, s0;
	s25 =	sadd.s32 $0x500, s24  }
0x14: {  	s4 =	sadd.s32 $0x400, s24;
	s24 =	simm.s32 $0x13880;
	[dreg:$0x8] =	wrdreg s22  }
0x15: {  	s10 =	sadd.s32 s18, s20;
	[dreg:$0x9] =	wrdreg s0;
	s23 =	sshrl.u32 s15, $0x3  }
0x16: {  	s26 =	sshrl.u32 s7, $0x3;
	s0 =	sshrl.u32 s25, $0x3;
	s4 =	sshrl.u32 s4, $0x3  }
0x17: {  	s20 =	simm.s32 $0x5;
	s25 =	simm.s32 $0x13980;
	s22 =	simm.s32 $0x3  }
0x18: {  	s11 =	sadd.s32 $0x20, s10;
	s15 =	sadd.s32 s18, s23;
	s16 =	sadd.s32 s18, s26  }
0x19: {  	s17 =	sadd.s32 s0, s18;
	s18 =	sadd.s32 s4, s18;
	s26 =	simm.s32 $0x64  }
0x1a: {  	s0 =	simm.s32 $0x2;
	s4 =	simm.s32 $0x13A00;
	s23 =	simm.s32 $0x4  }
.LBB2_1:
0x1b: {  	s6 =	rddreg [dreg:$0x2]  }
0x1c: {  	[spmem:s19], [sflag:s8] =	dma.local [hbm:s6], $0x2710  }
0x1d: {  	_ =	swait.ge [sflag:s20], $0x2710  }
0x1e: {  	[sflag:s20] =	ssyncset.done $0x0  }
0x1f: {  	s12 =	rddreg [dreg:$0x5];
	[sflag:s20] =	ssyncadd.s32 $0xFFFFD8F0  }
0x20: {  	[tilespmem:s21], [sflag:$0x5] =	stream.linear.gather [hbm4b:s12+s5], $0x3200, $0x38;
	[tilespmem:$0x1E080] =	vst v63  }
0x21: {  	_ =	swait.ge [sflag:s20], $0x3200  }
0x22: {  	[sflag:s20] =	ssyncset.done $0x0  }
0x23: {  	s7 =	simm.s32 $0x1D680;
	s13 =	rddreg [dreg:$0x6];
	[sflag:s20] =	ssyncadd.s32 $0xFFFFCE00  }
0x24: {  	[tilespmem:s7], [sflag:$0x5] =	stream.linear.gather [hbm4b:s13+s5], $0x800, $0x38;
	[tilespmem:$0x1E080] =	vst v63  }
0x25: {  	_ =	swait.ge [sflag:s20], $0x800  }
0x26: {  	[sflag:s20] =	ssyncset.done $0x0  }
0x27: {  	s9 =	simm.s32 $0x1DE80;
	s7 =	rddreg [dreg:$0x7];
	[sflag:s20] =	ssyncadd.s32 $0xFFFFF800  }
0x28: {  	[tilespmem:s9], [sflag:$0x5] =	stream.linear.gather [hbm4b:s7+s5], $0x200, $0x38;
	[tilespmem:$0x1E080] =	vst v63  }
0x29: {  	_ =	swait.ge [sflag:s20], $0x200  }
0x2a: {  	[sflag:s20] =	ssyncset.done $0x0  }
0x2b: {  	[sflag:s20] =	ssyncadd.s32 $0xFFFFFE00  }
0x2c: {  	[bflag:$0x0] =	sbarrier.arrive $0xFFFF  }
0x2d: {  	[tilespmem:s24], [sflag:$0x5] =	stream.linear.gather [hbm4b:s10+s5], $0x100, $0x38;
	[tilespmem:$0x1E080] =	vst v63  }
0x2e: {  	_ =	swait.ge [sflag:s20], $0x100  }
0x2f: {  	[sflag:s20] =	ssyncset.done $0x0  }
0x30: {  	[sflag:s20] =	ssyncadd.s32 $0xFFFFFF00  }
0x31: {  	[tilespmem:s25], [sflag:$0x5] =	stream.linear.gather [hbm4b:s11+s5], $0x100, $0x38;
	[tilespmem:$0x1E080] =	vst v63  }
0x32: {  	_ =	swait.ge [sflag:s20], $0x100  }
0x33: {  	[sflag:s20] =	ssyncset.done $0x0  }
0x34: {  	[sflag:s20] =	ssyncadd.s32 $0xFFFFFF00  }
0x35: {  	[tilespmem:s28], [sflag:$0x1] =	stream.indirect.gather [hbm4b:s1+s26], $0x80, s24, s26, $0xb8;
	[tilespmem:$0x1E080] =	vst v63  }
0x36: {  	_ = 	snop  }
0x37: {  	[tilespmem:s29], [sflag:$0x2] =	stream.indirect.gather [hbm4b:s1+s26], $0x80, s25, s26, $0xb8;
	[tilespmem:$0x1E080] =	vst v63  }
0x38: {  	_ =	swait.ge [sflag:s30], $0x3200  }
0x39: {  	[sflag:s30] =	ssyncset.done $0x0  }
0x3a: {  	[sflag:s30] =	ssyncadd.s32 $0xFFFFCE00  }
0x3b: {  	[spmem:s3] =	stream.indirect.scatter.add.f32 [tilespmem:s28], [sflag:$0x5], $0x80, s31, s26, $0xb8;
	[tilespmem:$0x1E080] =	vst v63  }
0x3c: {  	_ =	swait.ge [sflag:s20], $0x3200  }
0x3d: {  	[sflag:s20] =	ssyncset.done $0x0  }
0x3e: {  	[sflag:s20] =	ssyncadd.s32 $0xFFFFCE00  }
0x3f: {  	[tilespmem:s24], [sflag:$0x3] =	stream.linear.gather [hbm4b:s15+s5], $0x100, $0x38;
	[tilespmem:$0x1E080] =	vst v63  }
0x40: {  	_ =	swait.ge [sflag:s0], $0x3200  }
0x41: {  	[sflag:s0] =	ssyncset.done $0x0  }
0x42: {  	[sflag:s0] =	ssyncadd.s32 $0xFFFFCE00  }
0x43: {  	[spmem:s3] =	stream.indirect.scatter.add.f32 [tilespmem:s29], [sflag:$0x5], $0x80, s4, s26, $0xb8;
	[tilespmem:$0x1E080] =	vst v63  }
0x44: {  	_ =	swait.ge [sflag:s20], $0x3200  }
0x45: {  	[sflag:s20] =	ssyncset.done $0x0  }
0x46: {  	[sflag:s20] =	ssyncadd.s32 $0xFFFFCE00  }
0x47: {  	[tilespmem:s25], [sflag:$0x4] =	stream.linear.gather [hbm4b:s16+s5], $0x100, $0x38;
	[tilespmem:$0x1E080] =	vst v63  }
0x48: {  	_ =	swait.ge [sflag:s22], $0x100  }
0x49: {  	[sflag:s22] =	ssyncset.done $0x0  }
0x4a: {  	[sflag:s22] =	ssyncadd.s32 $0xFFFFFF00  }
0x4b: {  	[tilespmem:s28], [sflag:$0x1] =	stream.indirect.gather [hbm4b:s1+s26], $0x80, s24, s26, $0xb8;
	[tilespmem:$0x1E080] =	vst v63  }
0x4c: {  	_ =	swait.ge [sflag:s23], $0x100  }
0x4d: {  	[sflag:s23] =	ssyncset.done $0x0  }
0x4e: {  	[sflag:s23] =	ssyncadd.s32 $0xFFFFFF00  }
0x4f: {  	[tilespmem:s29], [sflag:$0x2] =	stream.indirect.gather [hbm4b:s1+s26], $0x80, s25, s26, $0xb8;
	[tilespmem:$0x1E080] =	vst v63  }
0x50: {  	_ =	swait.ge [sflag:s30], $0x3200  }
0x51: {  	[sflag:s30] =	ssyncset.done $0x0  }
0x52: {  	[sflag:s30] =	ssyncadd.s32 $0xFFFFCE00  }
0x53: {  	[spmem:s3] =	stream.indirect.scatter.add.f32 [tilespmem:s28], [sflag:$0x5], $0x80, s31, s26, $0xb8;
	[tilespmem:$0x1E080] =	vst v63  }
0x54: {  	_ =	swait.ge [sflag:s20], $0x3200  }
0x55: {  	[sflag:s20] =	ssyncset.done $0x0  }
0x56: {  	s12 =	sadd.s32 $0x0, s18;
	[sflag:s20] =	ssyncadd.s32 $0xFFFFCE00  }
0x57: {  	[tilespmem:s24], [sflag:$0x3] =	stream.linear.gather [hbm4b:s12+s5], $0x100, $0x38;
	[tilespmem:$0x1E080] =	vst v63  }
0x58: {  	_ =	swait.ge [sflag:s0], $0x3200  }
0x59: {  	[sflag:s0] =	ssyncset.done $0x0  }
0x5a: {  	[sflag:s0] =	ssyncadd.s32 $0xFFFFCE00  }
0x5b: {  	[spmem:s3] =	stream.indirect.scatter.add.f32 [tilespmem:s29], [sflag:$0x5], $0x80, s4, s26, $0xb8;
	[tilespmem:$0x1E080] =	vst v63  }
0x5c: {  	_ =	swait.ge [sflag:s20], $0x3200  }
0x5d: {  	[sflag:s20] =	ssyncset.done $0x0  }
0x5e: {  	s13 =	sadd.s32 $0x0, s17;
	[sflag:s20] =	ssyncadd.s32 $0xFFFFCE00  }
0x5f: {  	[tilespmem:s25], [sflag:$0x4] =	stream.linear.gather [hbm4b:s13+s5], $0x100, $0x38;
	[tilespmem:$0x1E080] =	vst v63  }
0x60: {  	_ =	swait.ge [sflag:s22], $0x100  }
0x61: {  	[sflag:s22] =	ssyncset.done $0x0  }
0x62: {  	[sflag:s22] =	ssyncadd.s32 $0xFFFFFF00  }
0x63: {  	[tilespmem:s28], [sflag:$0x1] =	stream.indirect.gather [hbm4b:s1+s26], $0x80, s24, s26, $0xb8;
	[tilespmem:$0x1E080] =	vst v63  }
0x64: {  	_ =	swait.ge [sflag:s23], $0x100  }
0x65: {  	[sflag:s23] =	ssyncset.done $0x0  }
0x66: {  	[sflag:s23] =	ssyncadd.s32 $0xFFFFFF00  }
0x67: {  	[tilespmem:s29], [sflag:$0x2] =	stream.indirect.gather [hbm4b:s1+s26], $0x80, s25, s26, $0xb8;
	[tilespmem:$0x1E080] =	vst v63  }
0x68: {  	_ =	swait.ge [sflag:s30], $0x3200  }
0x69: {  	[sflag:s30] =	ssyncset.done $0x0  }
0x6a: {  	[sflag:s30] =	ssyncadd.s32 $0xFFFFCE00  }
0x6b: {  	[spmem:s3] =	stream.indirect.scatter.add.f32 [tilespmem:s28], [sflag:$0x5], $0x80, s31, s26, $0xb8;
	[tilespmem:$0x1E080] =	vst v63  }
0x6c: {  	_ =	swait.ge [sflag:s20], $0x3200  }
0x6d: {  	s6 =	simm.s32 $0x40;
	s7 =	simm.s32 $0x80;
	[sflag:s20] =	ssyncset.done $0x0  }
.LBB2_2:
0x6e: {  	s9 =	sadd.s32 s6, s18  }
0x6f: {  	[sflag:s20] =	ssyncadd.s32 $0xFFFFCE00;
	s12 =	smov.u32 s7;
	s13 =	sadd.s32 $0x40, s7  }
0x70: {  	[tilespmem:s24], [sflag:$0x3] =	stream.linear.gather [hbm4b:s9+s5], $0x100, $0x38;
	[tilespmem:$0x1E080] =	vst v63  }
0x71: {  	p1 =	sne.s32 s7, $0xBC0;
	_ =	swait.ge [sflag:s0], $0x3200  }
0x72: {  	[sflag:s0] =	ssyncset.done $0x0  }
0x73: {  	[sflag:s0] =	ssyncadd.s32 $0xFFFFCE00  }
0x74: {  	[spmem:s3] =	stream.indirect.scatter.add.f32 [tilespmem:s29], [sflag:$0x5], $0x80, s4, s26, $0xb8;
	[tilespmem:$0x1E080] =	vst v63  }
0x75: {  	_ =	swait.ge [sflag:s20], $0x3200  }
0x76: {  	[sflag:s20] =	ssyncset.done $0x0  }
0x77: {  	s7 =	sadd.s32 s6, s17;
	s6 =	smov.u32 s12;
	[sflag:s20] =	ssyncadd.s32 $0xFFFFCE00  }
0x78: {  	[tilespmem:s25], [sflag:$0x4] =	stream.linear.gather [hbm4b:s7+s5], $0x100, $0x38;
	[tilespmem:$0x1E080] =	vst v63  }
0x79: {  	_ =	swait.ge [sflag:s22], $0x100  }
0x7a: {  	[sflag:s22] =	ssyncset.done $0x0  }
0x7b: {  	[sflag:s22] =	ssyncadd.s32 $0xFFFFFF00  }
0x7c: {  	[tilespmem:s28], [sflag:$0x1] =	stream.indirect.gather [hbm4b:s1+s26], $0x80, s24, s26, $0xb8;
	[tilespmem:$0x1E080] =	vst v63  }
0x7d: {  	_ =	swait.ge [sflag:s23], $0x100  }
0x7e: {  	[sflag:s23] =	ssyncset.done $0x0  }
0x7f: {  	[sflag:s23] =	ssyncadd.s32 $0xFFFFFF00  }
0x80: {  	[tilespmem:s29], [sflag:$0x2] =	stream.indirect.gather [hbm4b:s1+s26], $0x80, s25, s26, $0xb8;
	[tilespmem:$0x1E080] =	vst v63  }
0x81: {  	_ =	swait.ge [sflag:s30], $0x3200  }
.Ltmp0:
0x82: {  	[sflag:s30] =	ssyncset.done $0x0;
	(pc) =	sbr.rel @p1 .LBB2_2-.Ltmp0, $4  }
0x83: {  	[sflag:s30] =	ssyncadd.s32 $0xFFFFCE00  }
0x84: {  	[spmem:s3] =	stream.indirect.scatter.add.f32 [tilespmem:s28], [sflag:$0x5], $0x80, s31, s26, $0xb8;
	[tilespmem:$0x1E080] =	vst v63  }
0x85: {  	_ =	swait.ge [sflag:s20], $0x3200  }
0x86: {  	s7 =	smov.u32 s13;
	[sflag:s20] =	ssyncset.done $0x0  }
0x87: {  	s7 =	sadd.s32 s6, s18;
	[sflag:s20] =	ssyncadd.s32 $0xFFFFCE00  }
0x88: {  	[tilespmem:s24], [sflag:$0x3] =	stream.linear.gather [hbm4b:s7+s5], $0x100, $0x38;
	[tilespmem:$0x1E080] =	vst v63  }
0x89: {  	_ =	swait.ge [sflag:s0], $0x3200  }
0x8a: {  	[sflag:s0] =	ssyncset.done $0x0  }
0x8b: {  	[sflag:s0] =	ssyncadd.s32 $0xFFFFCE00  }
0x8c: {  	[spmem:s3] =	stream.indirect.scatter.add.f32 [tilespmem:s29], [sflag:$0x5], $0x80, s4, s26, $0xb8;
	[tilespmem:$0x1E080] =	vst v63  }
0x8d: {  	_ =	swait.ge [sflag:s20], $0x3200  }
0x8e: {  	[sflag:s20] =	ssyncset.done $0x0  }
0x8f: {  	s12 =	sadd.s32 s6, s17;
	[sflag:s20] =	ssyncadd.s32 $0xFFFFCE00  }
0x90: {  	[tilespmem:s25], [sflag:$0x4] =	stream.linear.gather [hbm4b:s12+s5], $0x100, $0x38;
	[tilespmem:$0x1E080] =	vst v63  }
0x91: {  	_ =	swait.ge [sflag:s22], $0x100  }
0x92: {  	[sflag:s22] =	ssyncset.done $0x0  }
0x93: {  	[sflag:s22] =	ssyncadd.s32 $0xFFFFFF00  }
0x94: {  	[tilespmem:s28], [sflag:$0x1] =	stream.indirect.gather [hbm4b:s1+s26], $0x80, s24, s26, $0xb8;
	[tilespmem:$0x1E080] =	vst v63  }
0x95: {  	_ =	swait.ge [sflag:s23], $0x100  }
0x96: {  	[sflag:s23] =	ssyncset.done $0x0  }
0x97: {  	[sflag:s23] =	ssyncadd.s32 $0xFFFFFF00  }
0x98: {  	[tilespmem:s29], [sflag:$0x2] =	stream.indirect.gather [hbm4b:s1+s26], $0x80, s25, s26, $0xb8;
	[tilespmem:$0x1E080] =	vst v63  }
0x99: {  	_ =	swait.ge [sflag:s30], $0x3200  }
0x9a: {  	[sflag:s30] =	ssyncset.done $0x0  }
0x9b: {  	[sflag:s30] =	ssyncadd.s32 $0xFFFFCE00  }
0x9c: {  	[spmem:s3] =	stream.indirect.scatter.add.f32 [tilespmem:s28], [sflag:$0x5], $0x80, s31, s26, $0xb8;
	[tilespmem:$0x1E080] =	vst v63  }
0x9d: {  	_ =	swait.ge [sflag:s20], $0x3200  }
0x9e: {  	[sflag:s20] =	ssyncset.done $0x0  }
0x9f: {  	[sflag:s20] =	ssyncadd.s32 $0xFFFFCE00  }
0xa0: {  	_ =	swait.ge [sflag:s0], $0x3200  }
0xa1: {  	[sflag:s0] =	ssyncset.done $0x0  }
0xa2: {  	[sflag:s0] =	ssyncadd.s32 $0xFFFFCE00  }
0xa3: {  	[spmem:s3] =	stream.indirect.scatter.add.f32 [tilespmem:s29], [sflag:$0x5], $0x80, s4, s26, $0xb8;
	[tilespmem:$0x1E080] =	vst v63  }
0xa4: {  	_ =	swait.ge [sflag:s20], $0x3200  }
0xa5: {  	[sflag:s20] =	ssyncset.done $0x0  }
0xa6: {  	[sflag:s20] =	ssyncadd.s32 $0xFFFFCE00  }
0xa7: {  	[bflag:$0x0] =	sbarrier.arrive $0xFFFF  }
0xa8: {  	s13 =	rddreg [dreg:$0x8]  }
0xa9: {  	[hbm:s13], [sflag:s8] =	dma.local [spmem:s19], $0x2710  }
0xaa: {  	_ =	swait.ge [sflag:s20], $0x2710  }
0xab: {  	[sflag:s20] =	ssyncset.done $0x0  }
0xac: {  	[sflag:s20] =	ssyncadd.s32 $0xFFFFD8F0  }
0xad: {  	[bflag:$0x0] =	sbarrier.arrive $0xFFFF  }
0xae: {  	s7 =	rddreg [dreg:$0x2]  }
0xaf: {  	[spmem:s19], [sflag:s8] =	dma.local [hbm:s7], $0x2710  }
0xb0: {  	_ =	swait.ge [sflag:s20], $0x2710  }
0xb1: {  	[sflag:s20] =	ssyncset.done $0x0  }
0xb2: {  	[sflag:s20] =	ssyncadd.s32 $0xFFFFD8F0  }
0xb3: {  	s9 =	simm.s32 $0x0;
	[bflag:$0x0] =	sbarrier.arrive $0xFFFF  }
0xb4: {  	[tilespmem:s24], [sflag:$0x5] =	stream.linear.gather [hbm4b:s10+s9], $0x100, $0x38;
	[tilespmem:$0x1E080] =	vst v63  }
0xb5: {  	_ =	swait.ge [sflag:s20], $0x100  }
0xb6: {  	[sflag:s20] =	ssyncset.done $0x0  }
0xb7: {  	[sflag:s20] =	ssyncadd.s32 $0xFFFFFF00  }
0xb8: {  	[tilespmem:s25], [sflag:$0x5] =	stream.linear.gather [hbm4b:s11+s9], $0x100, $0x38;
	[tilespmem:$0x1E080] =	vst v63  }
0xb9: {  	_ =	swait.ge [sflag:s20], $0x100  }
0xba: {  	[sflag:s20] =	ssyncset.done $0x0  }
0xbb: {  	[sflag:s20] =	ssyncadd.s32 $0xFFFFFF00  }
0xbc: {  	[spmem:s3] =	stream.indirect.scatter.add.f32 [tilespmem:s21], [sflag:$0x5], $0x80, s31, s26, $0xb8;
	[tilespmem:$0x1E080] =	vst v63  }
0xbd: {  	_ =	swait.ge [sflag:s20], $0x3200  }
0xbe: {  	[sflag:s20] =	ssyncset.done $0x0  }
0xbf: {  	[sflag:s20] =	ssyncadd.s32 $0xFFFFCE00  }
0xc0: {  	[tilespmem:s24], [sflag:$0x3] =	stream.linear.gather [hbm4b:s15+s9], $0x100, $0x38;
	[tilespmem:$0x1E080] =	vst v63  }
0xc1: {  	_ = 	snop  }
0xc2: {  	[spmem:s3] =	stream.indirect.scatter.add.f32 [tilespmem:s21], [sflag:$0x5], $0x80, s4, s26, $0xb8;
	[tilespmem:$0x1E080] =	vst v63  }
0xc3: {  	_ =	swait.ge [sflag:s20], $0x3200  }
0xc4: {  	[sflag:s20] =	ssyncset.done $0x0  }
0xc5: {  	[sflag:s20] =	ssyncadd.s32 $0xFFFFCE00  }
0xc6: {  	[tilespmem:s25], [sflag:$0x4] =	stream.linear.gather [hbm4b:s16+s9], $0x100, $0x38;
	[tilespmem:$0x1E080] =	vst v63  }
0xc7: {  	_ =	swait.ge [sflag:s22], $0x100  }
0xc8: {  	[sflag:s22] =	ssyncset.done $0x0  }
0xc9: {  	[sflag:s22] =	ssyncadd.s32 $0xFFFFFF00  }
0xca: {  	_ =	swait.ge [sflag:s23], $0x100  }
0xcb: {  	[sflag:s23] =	ssyncset.done $0x0  }
0xcc: {  	[sflag:s23] =	ssyncadd.s32 $0xFFFFFF00  }
0xcd: {  	[spmem:s3] =	stream.indirect.scatter.add.f32 [tilespmem:s21], [sflag:$0x5], $0x80, s31, s26, $0xb8;
	[tilespmem:$0x1E080] =	vst v63  }
0xce: {  	_ =	swait.ge [sflag:s20], $0x3200  }
0xcf: {  	[sflag:s20] =	ssyncset.done $0x0  }
0xd0: {  	s12 =	sadd.s32 $0x0, s18;
	[sflag:s20] =	ssyncadd.s32 $0xFFFFCE00  }
0xd1: {  	[tilespmem:s24], [sflag:$0x3] =	stream.linear.gather [hbm4b:s12+s5], $0x100, $0x38;
	[tilespmem:$0x1E080] =	vst v63  }
0xd2: {  	_ = 	snop  }
0xd3: {  	[spmem:s3] =	stream.indirect.scatter.add.f32 [tilespmem:s21], [sflag:$0x5], $0x80, s4, s26, $0xb8;
	[tilespmem:$0x1E080] =	vst v63  }
0xd4: {  	_ =	swait.ge [sflag:s20], $0x3200  }
0xd5: {  	[sflag:s20] =	ssyncset.done $0x0  }
0xd6: {  	s13 =	sadd.s32 $0x0, s17;
	[sflag:s20] =	ssyncadd.s32 $0xFFFFCE00  }
0xd7: {  	[tilespmem:s25], [sflag:$0x4] =	stream.linear.gather [hbm4b:s13+s5], $0x100, $0x38;
	[tilespmem:$0x1E080] =	vst v63  }
0xd8: {  	_ =	swait.ge [sflag:s22], $0x100  }
0xd9: {  	[sflag:s22] =	ssyncset.done $0x0  }
0xda: {  	[sflag:s22] =	ssyncadd.s32 $0xFFFFFF00  }
0xdb: {  	_ =	swait.ge [sflag:s23], $0x100  }
0xdc: {  	[sflag:s23] =	ssyncset.done $0x0  }
0xdd: {  	[sflag:s23] =	ssyncadd.s32 $0xFFFFFF00  }
0xde: {  	[spmem:s3] =	stream.indirect.scatter.add.f32 [tilespmem:s21], [sflag:$0x5], $0x80, s31, s26, $0xb8;
	[tilespmem:$0x1E080] =	vst v63  }
0xdf: {  	_ =	swait.ge [sflag:s20], $0x3200  }
0xe0: {  	s6 =	simm.s32 $0x40;
	s7 =	simm.s32 $0x80;
	[sflag:s20] =	ssyncset.done $0x0  }
.LBB2_4:
0xe1: {  	s9 =	sadd.s32 s6, s18  }
0xe2: {  	[sflag:s20] =	ssyncadd.s32 $0xFFFFCE00;
	s12 =	smov.u32 s7;
	s13 =	sadd.s32 $0x40, s7  }
0xe3: {  	[tilespmem:s24], [sflag:$0x3] =	stream.linear.gather [hbm4b:s9+s5], $0x100, $0x38;
	[tilespmem:$0x1E080] =	vst v63  }
0xe4: {  	p1 =	sne.s32 s7, $0xBC0  }
0xe5: {  	[spmem:s3] =	stream.indirect.scatter.add.f32 [tilespmem:s21], [sflag:$0x5], $0x80, s4, s26, $0xb8;
	[tilespmem:$0x1E080] =	vst v63  }
0xe6: {  	_ =	swait.ge [sflag:s20], $0x3200  }
0xe7: {  	[sflag:s20] =	ssyncset.done $0x0  }
0xe8: {  	s7 =	sadd.s32 s6, s17;
	s6 =	smov.u32 s12;
	[sflag:s20] =	ssyncadd.s32 $0xFFFFCE00  }
0xe9: {  	[tilespmem:s25], [sflag:$0x4] =	stream.linear.gather [hbm4b:s7+s5], $0x100, $0x38;
	[tilespmem:$0x1E080] =	vst v63  }
0xea: {  	_ =	swait.ge [sflag:s22], $0x100  }
0xeb: {  	[sflag:s22] =	ssyncset.done $0x0  }
0xec: {  	[sflag:s22] =	ssyncadd.s32 $0xFFFFFF00  }
0xed: {  	_ =	swait.ge [sflag:s23], $0x100  }
.Ltmp1:
0xee: {  	[sflag:s23] =	ssyncset.done $0x0;
	(pc) =	sbr.rel @p1 .LBB2_4-.Ltmp1, $4  }
0xef: {  	[sflag:s23] =	ssyncadd.s32 $0xFFFFFF00  }
0xf0: {  	[spmem:s3] =	stream.indirect.scatter.add.f32 [tilespmem:s21], [sflag:$0x5], $0x80, s31, s26, $0xb8;
	[tilespmem:$0x1E080] =	vst v63  }
0xf1: {  	_ =	swait.ge [sflag:s20], $0x3200  }
0xf2: {  	s7 =	smov.u32 s13;
	[sflag:s20] =	ssyncset.done $0x0  }
0xf3: {  	s7 =	sadd.s32 s6, s18;
	[sflag:s20] =	ssyncadd.s32 $0xFFFFCE00  }
0xf4: {  	[tilespmem:s24], [sflag:$0x3] =	stream.linear.gather [hbm4b:s7+s5], $0x100, $0x38;
	[tilespmem:$0x1E080] =	vst v63  }
0xf5: {  	_ = 	snop  }
0xf6: {  	[spmem:s3] =	stream.indirect.scatter.add.f32 [tilespmem:s21], [sflag:$0x5], $0x80, s4, s26, $0xb8;
	[tilespmem:$0x1E080] =	vst v63  }
0xf7: {  	_ =	swait.ge [sflag:s20], $0x3200  }
0xf8: {  	[sflag:s20] =	ssyncset.done $0x0  }
0xf9: {  	s12 =	sadd.s32 s6, s17;
	[sflag:s20] =	ssyncadd.s32 $0xFFFFCE00  }
0xfa: {  	[tilespmem:s25], [sflag:$0x4] =	stream.linear.gather [hbm4b:s12+s5], $0x100, $0x38;
	[tilespmem:$0x1E080] =	vst v63  }
0xfb: {  	_ =	swait.ge [sflag:s22], $0x100  }
0xfc: {  	[sflag:s22] =	ssyncset.done $0x0  }
0xfd: {  	[sflag:s22] =	ssyncadd.s32 $0xFFFFFF00  }
0xfe: {  	_ =	swait.ge [sflag:s23], $0x100  }
0xff: {  	[sflag:s23] =	ssyncset.done $0x0  }
0x100: {  	[sflag:s23] =	ssyncadd.s32 $0xFFFFFF00  }
0x101: {  	[spmem:s3] =	stream.indirect.scatter.add.f32 [tilespmem:s21], [sflag:$0x5], $0x80, s31, s26, $0xb8;
	[tilespmem:$0x1E080] =	vst v63  }
0x102: {  	_ =	swait.ge [sflag:s20], $0x3200  }
0x103: {  	[sflag:s20] =	ssyncset.done $0x0  }
0x104: {  	[sflag:s20] =	ssyncadd.s32 $0xFFFFCE00  }
0x105: {  	[spmem:s3] =	stream.indirect.scatter.add.f32 [tilespmem:s21], [sflag:$0x5], $0x80, s4, s26, $0xb8;
	[tilespmem:$0x1E080] =	vst v63  }
0x106: {  	_ =	swait.ge [sflag:s20], $0x3200  }
0x107: {  	s6 =	simm.s32 @!p0 $0x10;
	[sflag:s20] =	ssyncset.done $0x0  }
0x108: {  	s9 =	simm.s32 @!p0 $0x1D680;
	s7 =	simm.s32 @!p0 $0x1DE80;
	[sflag:s20] =	ssyncadd.s32 $0xFFFFCE00  }
0x109: {  	[spmem:s3] =	stream.indirect.scatter.add.f32 @!p0 [tilespmem:s9], [sflag:$0x5], $0x80, s7, s6, $0xb8;
	[tilespmem:$0x1E080] =	vst v63  }
0x10a: {  	s7 =	simm.s32 @!p0 $0x5  }
0x10b: {  	_ =	swait.ge @!p0 [sflag:s7], $0x800  }
0x10c: {  	[sflag:s7] =	ssyncset.done @!p0 $0x0  }
0x10d: {  	s12 =	simm.s32 @!p0 $0x1DF00;
	[sflag:s7] =	ssyncadd.s32 @!p0 $0xFFFFF800  }
0x10e: {  	[spmem:s3] =	stream.indirect.scatter.add.f32 @!p0 [tilespmem:s9], [sflag:$0x5], $0x80, s12, s6, $0xb8;
	[tilespmem:$0x1E080] =	vst v63  }
0x10f: {  	_ =	swait.ge @!p0 [sflag:s7], $0x800  }
0x110: {  	[sflag:s7] =	ssyncset.done @!p0 $0x0  }
0x111: {  	s12 =	simm.s32 @!p0 $0x1DF80;
	[sflag:s7] =	ssyncadd.s32 @!p0 $0xFFFFF800  }
0x112: {  	[spmem:s3] =	stream.indirect.scatter.add.f32 @!p0 [tilespmem:s9], [sflag:$0x5], $0x80, s12, s6, $0xb8;
	[tilespmem:$0x1E080] =	vst v63  }
0x113: {  	_ =	swait.ge @!p0 [sflag:s7], $0x800  }
0x114: {  	[sflag:s7] =	ssyncset.done @!p0 $0x0  }
0x115: {  	s12 =	simm.s32 @!p0 $0x1E000;
	[sflag:s7] =	ssyncadd.s32 @!p0 $0xFFFFF800  }
0x116: {  	[spmem:s3] =	stream.indirect.scatter.add.f32 @!p0 [tilespmem:s9], [sflag:$0x5], $0x80, s12, s6, $0xb8;
	[tilespmem:$0x1E080] =	vst v63  }
0x117: {  	_ =	swait.ge @!p0 [sflag:s7], $0x800  }
0x118: {  	[sflag:s7] =	ssyncset.done @!p0 $0x0  }
0x119: {  	s2 =	sadd.s32 $0x1, s2;
	[sflag:s7] =	ssyncadd.s32 @!p0 $0xFFFFF800  }
0x11a: {  	p1 =	sne.s32 s2, s14;
	[bflag:$0x0] =	sbarrier.arrive $0xFFFF  }
.Ltmp2:
0x11b: {  	s13 =	rddreg [dreg:$0x9];
	(pc) =	sbr.rel @p1 .LBB2_1-.Ltmp2, $4  }
0x11c: {  	[hbm:s13], [sflag:s8] =	dma.local [spmem:s19], $0x2710  }
0x11d: {  	_ =	swait.ge [sflag:s20], $0x2710  }
0x11e: {  	[sflag:s20] =	ssyncset.done $0x0  }
0x11f: {  	[sflag:s20] =	ssyncadd.s32 $0xFFFFD8F0  }
0x120: {  	_ =	sfence.sel $0x180000  }
0x121: {  	[bflag:$0x0] =	sbarrier.arrive $0xFFFF  }
0x122: {  	_ =	strace $0x90000047  }
0x123: {  	s0 =	stileid.u32;
	[bflag:$0x2] =	sbarrier.arrive $0xFFFF  }
0x124: {  	p0 =	sne.s32 s0, $0x0;
	s0 =	rddreg [dreg:$0x4]  }
0x125: {  	s0 =	sadd.s32 @!p0 $0x100000, s0  }
0x126: {  	[sflag:s0] =	ssyncadd.tile.s32 @!p0 $0x1;
	_ =	shalt  }
.Lfunc_end2:
_tile_overlayer_lowered:
.L_overlay_start_2:
0x127: {  	(tag) =	ssettag $0x2  }
0x128: {  	s0 =	rddreg [dreg:$0x0];
	s2 =	stileid.u32  }
0x129: {  	s1 =	rddreg [dreg:$0x1];
	p0 =	sne.s32 s2, $0x0  }
0x12a: {  	s3 =	rddreg [dreg:$0x2];
	[bflag:$0x3] =	sbarrier.arrive $0xFFFF;
	s2 =	simm.s32 @!p0 $0x1C05  }
0x12b: {  	[timem:s3], [sflag:s2] =	dma.local @!p0 [hbm:s0], s1  }
0x12c: {  	s0 =	simm.s32 @!p0 $0x5  }
0x12d: {  	_ =	swait.ge @!p0 [sflag:s0], s1  }
0x12e: {  	s1 =	ssub.s32 @!p0 $0x0, s1;
	[sflag:s0] =	ssyncset.done @!p0 $0x0  }
0x12f: {  	[sflag:s0] =	ssyncadd.s32 @!p0 s1  }
0x130: {  	[bflag:$0x3] =	sbarrier.arrive $0xFFFF  }
0x131: {  	_ =	shalt  }

</sc_bundles>
